<compile_context>
chip_gen: v7x
topology: tpu7x:2x2x1
jax: 0.10.2.dev20260603
libtpu: 0.0.44.dev20260713+nightly
codegen_flags: <defaults>
</compile_context>

<pallas_src>
import functools

import jax
import jax.numpy as jnp
from jax import lax
from jax.experimental import pallas as pl
from jax.experimental.pallas import tpu as pltpu
from jax.experimental.pallas import tpu_sc as plsc

_N = 4
_LOW, _HIGH = 0.0, 20.0
_B, _T, _C, _D, _L, _K = 32, 128, 4, 4096, 64, 5
_R = _C * _L
_NW = 32
_W = _D // _NW
_H = 16
_WH = _W + _H


def _prep_body(x_ref, lvl_ref, ch_ref, fidx_ref, bound_ref):
    xq = x_ref[:].reshape(_B * _T, _C)
    idx = jnp.clip(
        jnp.round((xq - _LOW) / (_HIGH - _LOW) * (_L - 1)), 0, _L - 1
    ).astype(jnp.int32)
    fidx_ref[:] = idx + lax.broadcasted_iota(jnp.int32, (_B * _T, _C), 1) * _L
    lvl = lvl_ref[:]
    ch = ch_ref[:]
    bound_ref[:] = (ch[:, None, :] * lvl[None, :, :]).reshape(_R, _D)


def _sc_body(tabs_hbm, fidx_hbm, out_hbm, tab_v, fidx_v, s_v, acc_v):
    w = lax.axis_index("s") * 2 + lax.axis_index("c")
    pltpu.sync_copy(tabs_hbm.at[w], tab_v)
    pltpu.sync_copy(fidx_hbm, fidx_v)
    zero = jnp.zeros((16,), jnp.float32)

    def per_b(b, _):
        @plsc.parallel_loop(0, _T, unroll=8)
        def per_t(t):
            vec = fidx_v[pl.ds((b * _T + t) * _C, 16)]
            i0 = vec[0]
            i1 = vec[1]
            i2 = vec[2]
            i3 = vec[3]
            for j in range(_WH // 16):
                sl = pl.ds(j * 16, 16)
                s_v[t, sl] = (tab_v[i0, sl] + tab_v[i1, sl]) + (
                    tab_v[i2, sl] + tab_v[i3, sl]
                )

        @plsc.parallel_loop(0, _T - (_N - 1), carry=(zero,) * (_W // 16))
        def accs(t, acc):
            new_accs = []
            for j in range(_W // 16):
                o = _H + j * 16
                p = (s_v[t, pl.ds(o - 3, 16)] * s_v[t + 1, pl.ds(o - 2, 16)]) * (
                    s_v[t + 2, pl.ds(o - 1, 16)] * s_v[t + 3, pl.ds(o, 16)]
                )
                new_accs.append(acc[j] + p)
            return tuple(new_accs)

        for j in range(_W // 16):
            acc_v[b, pl.ds(j * 16, 16)] = accs[j]
        return 0

    lax.fori_loop(0, _B, per_b, 0, unroll=False)
    pltpu.sync_copy(acc_v, out_hbm.at[w])


def _finish_body(enc_ref, am_ref, out_ref):
    enc = enc_ref[:]
    am = am_ref[:]
    enc_n = enc / (jnp.sqrt(jnp.sum(enc * enc, axis=1, keepdims=True)) + 1e-12)
    am_n = am / (jnp.sqrt(jnp.sum(am * am, axis=1, keepdims=True)) + 1e-12)
    out_ref[:] = lax.dot_general(
        enc_n, am_n, (((1,), (1,)), ((), ())), preferred_element_type=jnp.float32
    )


def kernel(x, level_table, channel_weight, am_weight):
    fidx, bound = pl.pallas_call(
        _prep_body,
        out_shape=(
            jax.ShapeDtypeStruct((_B * _T, _C), jnp.int32),
            jax.ShapeDtypeStruct((_R, _D), jnp.float32),
        ),
    )(x, level_table, channel_weight)

    rolled = jnp.concatenate([bound[:, _D - _H :], bound[:, : _D - _H]], axis=1)
    main = bound.reshape(_R, _NW, _W).transpose(1, 0, 2)
    halo = rolled.reshape(_R, _NW, _W)[:, :, :_H].transpose(1, 0, 2)
    tabs = jnp.concatenate([halo, main], axis=2)

    sc = functools.partial(
        pl.kernel,
        out_type=jax.ShapeDtypeStruct((_NW, _B, _W), jnp.float32),
        mesh=plsc.VectorSubcoreMesh(core_axis_name="c", subcore_axis_name="s"),
        scratch_types=[
            pltpu.VMEM((_R, _WH), jnp.float32),
            pltpu.VMEM((_B * _T * _C,), jnp.int32),
            pltpu.VMEM((_T, _WH), jnp.float32),
            pltpu.VMEM((_B, _W), jnp.float32),
        ],
        compiler_params=pltpu.CompilerParams(
            use_tc_tiling_on_sc=False, needs_layout_passes=False
        ),
    )(_sc_body)
    enc_chunks = sc(tabs, fidx.reshape(_B * _T * _C))
    enc = enc_chunks.transpose(1, 0, 2).reshape(_B, _D)

    return pl.pallas_call(
        _finish_body,
        out_shape=jax.ShapeDtypeStruct((_B, _K), jnp.float32),
    )(enc, am_weight)

# --- scband reference (transcript-rebuilt; emitter-appended) ---
"""Pipeline reference for scband-emg-hdc-51840255262928 (READ-ONLY COPY).

The authoritative reference and input builder live on the scoring server;
editing this copy changes nothing except your own understanding.
"""

import jax, jax.numpy as jnp
import numpy as np

N_GRAM_SIZE = 4
LOW, HIGH = 0.0, 20.0
B, T, C, D, L, NUM_CLASSES = 32, 128, 4, 4096, 64, 5


def _rademacher(key, shape):
    return jnp.where(jax.random.uniform(key, shape) < 0.5, -1.0, 1.0).astype(jnp.float32)


def setup_inputs(seed: int = 0) -> dict:
    key = jax.random.key(seed)
    k1, k2, k3, k4 = jax.random.split(key, 4)
    # forward input: EMG signal values in [0, 1) subset of Level range [0, 20]
    x = jax.random.uniform(k1, (B, T, C), dtype=jnp.float32)
    # learned/params: Level embedding table (bipolar MAP hypervectors),
    # Random channel hypervectors, and associative-memory class prototypes
    level_table = _rademacher(k2, (L, D))
    channel_weight = _rademacher(k3, (C, D))
    am_weight = jax.random.normal(k4, (NUM_CLASSES, D), dtype=jnp.float32)
    return {"x": x, "level_table": level_table, "channel_weight": channel_weight, "am_weight": am_weight}


def reference(x, level_table, channel_weight, am_weight):
    Lc = level_table.shape[0]
    # torchhd embeddings.Level: quantize value to index, then gather
    idx = jnp.clip(jnp.round((x - LOW) / (HIGH - LOW) * (Lc - 1)), 0, Lc - 1).astype(jnp.int32)
    signal = jnp.take(level_table, idx, axis=0)  # [B, T, C, D]
    # bind with channel hypervectors (MAP bind = elementwise multiply)
    samples = signal * channel_weight[None, None, :, :]
    # multiset over channels (MAP multiset = sum)
    samples = samples.sum(axis=-2)  # [B, T, D]
    # torchhd.ngrams with n=4: bind permuted shifted slices, then multiset over windows
    n = N_GRAM_SIZE
    n_gram = None
    for i in range(n):
        if i == n - 1:
            last = samples[..., i:, :]
        else:
            last = samples[..., i:-(n - 1 - i), :]
        sample = jnp.roll(last, shift=n - i - 1, axis=-1)  # MAP permute = roll over D
        n_gram = sample if n_gram is None else n_gram * sample
    enc = n_gram.sum(axis=-2)  # [B, D]
    # am.search: cosine similarity against class prototypes
    enc_n = enc / (jnp.linalg.norm(enc, axis=-1, keepdims=True) + 1e-12)
    am_n = am_weight / (jnp.linalg.norm(am_weight, axis=-1, keepdims=True) + 1e-12)
    return enc_n @ am_n.T  # [B, NUM_CLASSES]

if __name__ == "__main__":
    import jax
    _d = setup_inputs()
    print(jax.jit(kernel)(*tuple(_d.values())))

</pallas_src>

<mosaic_0001>
#map = affine_map<(d0, d1) -> (0, 0, 0)>
#map1 = affine_map<(d0, d1) -> (0)>
module attributes {stable_mosaic.version = 14 : i64} {
  func.func @_sc_body(%arg0: i32, %arg1: i32, %arg2: memref<32x256x144xf32, #tpu.memory_space<hbm>>, %arg3: memref<16384xi32, #tpu.memory_space<hbm>>, %arg4: memref<32x32x128xf32, #tpu.memory_space<hbm>>, %arg5: memref<256x144xf32, #tpu.memory_space<vmem>>, %arg6: memref<16384xi32, #tpu.memory_space<vmem>>, %arg7: memref<128x144xf32, #tpu.memory_space<vmem>>, %arg8: memref<32x128xf32, #tpu.memory_space<vmem>>) attributes {dimension_semantics = [#tpu.dimension_semantics<core_parallel>, #tpu.dimension_semantics<subcore_parallel>], iteration_bounds = array<i64: 2, 16>, scalar_prefetch = 0 : i64, scratch_operands = 4 : i64, tpu.core_type = #tpu.core_type<sc_vector_subcore>, window_params = [{transform_indices = #map}, {transform_indices = #map1}, {transform_indices = #map}]} {
    %mul3A = arith.constant 2 : i32
    %mul3A_0 = arith.muli %arg1, %mul3A : i32
    %add3A = arith.addi %mul3A_0, %arg0 : i32
    "tpu.region"() ({
      %run_scoped3A = tpu.sem_alloc : memref<!tpu.dma_semaphore, #tpu.memory_space<semaphore_mem>>
      %dma_start3A = arith.constant 0 : i32
      %dma_start3A_8 = arith.constant 0 : i32
      %dma_start3A_9 = tpu.memref_slice %arg2[%add3A, %dma_start3A, %dma_start3A_8] : memref<32x256x144xf32, #tpu.memory_space<hbm>> -> memref<1x256x144xf32, #tpu.memory_space<hbm>>
      %dma_start3A_10 = tpu.memref_squeeze %dma_start3A_9 : memref<1x256x144xf32, #tpu.memory_space<hbm>> -> memref<256x144xf32, #tpu.memory_space<hbm>>
      %dma_start3A_11 = arith.constant 0 : i32
      %dma_start3A_12 = arith.constant 0 : i32
      %dma_start3A_13 = tpu.memref_slice %arg2[%add3A, %dma_start3A_11, %dma_start3A_12] : memref<32x256x144xf32, #tpu.memory_space<hbm>> -> memref<1x256x144xf32, #tpu.memory_space<hbm>>
      %dma_start3A_14 = tpu.memref_squeeze %dma_start3A_13 : memref<1x256x144xf32, #tpu.memory_space<hbm>> -> memref<256x144xf32, #tpu.memory_space<hbm>>
      tpu.enqueue_dma source(%dma_start3A_14 : memref<256x144xf32, #tpu.memory_space<hbm>>) target(%arg5 : memref<256x144xf32, #tpu.memory_space<vmem>>) target_semaphore(%run_scoped3A : memref<!tpu.dma_semaphore, #tpu.memory_space<semaphore_mem>>)
      %dma_wait3A = arith.constant 0 : i32
      %dma_wait3A_15 = arith.constant 0 : i32
      %dma_wait3A_16 = tpu.memref_slice %arg2[%add3A, %dma_wait3A, %dma_wait3A_15] : memref<32x256x144xf32, #tpu.memory_space<hbm>> -> memref<1x256x144xf32, #tpu.memory_space<hbm>>
      %dma_wait3A_17 = tpu.memref_squeeze %dma_wait3A_16 : memref<1x256x144xf32, #tpu.memory_space<hbm>> -> memref<256x144xf32, #tpu.memory_space<hbm>>
      %dma_wait3A_18 = arith.constant 0 : i32
      %dma_wait3A_19 = arith.constant 0 : i32
      %dma_wait3A_20 = tpu.memref_slice %arg2[%add3A, %dma_wait3A_18, %dma_wait3A_19] : memref<32x256x144xf32, #tpu.memory_space<hbm>> -> memref<1x256x144xf32, #tpu.memory_space<hbm>>
      %dma_wait3A_21 = tpu.memref_squeeze %dma_wait3A_20 : memref<1x256x144xf32, #tpu.memory_space<hbm>> -> memref<256x144xf32, #tpu.memory_space<hbm>>
      tpu.wait_dma2 semaphore(%run_scoped3A : memref<!tpu.dma_semaphore, #tpu.memory_space<semaphore_mem>>) src(%dma_wait3A_21 : memref<256x144xf32, #tpu.memory_space<hbm>>) dst(%arg5 : memref<256x144xf32, #tpu.memory_space<vmem>>)
      tpu.yield
    }) : () -> ()
    "tpu.region"() ({
      %run_scoped3A = tpu.sem_alloc : memref<!tpu.dma_semaphore, #tpu.memory_space<semaphore_mem>>
      tpu.enqueue_dma source(%arg3 : memref<16384xi32, #tpu.memory_space<hbm>>) target(%arg6 : memref<16384xi32, #tpu.memory_space<vmem>>) target_semaphore(%run_scoped3A : memref<!tpu.dma_semaphore, #tpu.memory_space<semaphore_mem>>)
      tpu.wait_dma2 semaphore(%run_scoped3A : memref<!tpu.dma_semaphore, #tpu.memory_space<semaphore_mem>>) src(%arg3 : memref<16384xi32, #tpu.memory_space<hbm>>) dst(%arg6 : memref<16384xi32, #tpu.memory_space<vmem>>)
      tpu.yield
    }) : () -> ()
    %broadcast_in_dim3A = arith.constant 0.000000e+00 : f32
    %broadcast_in_dim3A_1 = vector.broadcast %broadcast_in_dim3A : f32 to vector<16xf32>
    %scan3A = arith.constant 0 : i32
    %scan3A_2 = arith.constant 0 : i32
    %scan3A_3 = arith.constant 32 : i32
    %scan3A_4 = arith.addi %scan3A_2, %scan3A_3 : i32
    %scan3A_5 = arith.constant 1 : i32
    %scan3A_6 = scf.for %scan3A_8 = %scan3A_2 to %scan3A_4 step %scan3A_5 iter_args(%scan3A_9 = %scan3A) -> (i32)  : i32 {
      %parallel_loop3A = arith.constant 0 : i32
      %parallel_loop3A_10 = arith.constant 128 : i32
      %parallel_loop3A_11 = arith.constant 1 : i32
      scf.for %parallel_loop3A_40 = %parallel_loop3A to %parallel_loop3A_10 step %parallel_loop3A_11  : i32 {
        %parallel_loop3A_41 = arith.constant 128 : i32
        %parallel_loop3A_42 = arith.muli %scan3A_8, %parallel_loop3A_41 : i32
        %parallel_loop3A_43 = arith.addi %parallel_loop3A_42, %parallel_loop3A_40 : i32
        %parallel_loop3A_44 = arith.constant 4 : i32
        %parallel_loop3A_45 = arith.muli %parallel_loop3A_43, %parallel_loop3A_44 : i32
        %parallel_loop3A_46 = arith.index_cast %parallel_loop3A_45 : i32 to index
        %parallel_loop3A_47 = tpu.vector_load %arg6[%parallel_loop3A_46] {strides = array<i32>} : memref<16384xi32, #tpu.memory_space<vmem>>, vector<16xi32>,
        %parallel_loop3A_48 = vector.extract_strided_slice %parallel_loop3A_47 {offsets = [0], sizes = [1], strides = [1]} : vector<16xi32> to vector<1xi32>
        %parallel_loop3A_49 = vector.extract %parallel_loop3A_48[0] : i32 from vector<1xi32>
        %parallel_loop3A_50 = vector.extract_strided_slice %parallel_loop3A_47 {offsets = [1], sizes = [1], strides = [1]} : vector<16xi32> to vector<1xi32>
        %parallel_loop3A_51 = vector.extract %parallel_loop3A_50[0] : i32 from vector<1xi32>
        %parallel_loop3A_52 = vector.extract_strided_slice %parallel_loop3A_47 {offsets = [2], sizes = [1], strides = [1]} : vector<16xi32> to vector<1xi32>
        %parallel_loop3A_53 = vector.extract %parallel_loop3A_52[0] : i32 from vector<1xi32>
        %parallel_loop3A_54 = vector.extract_strided_slice %parallel_loop3A_47 {offsets = [3], sizes = [1], strides = [1]} : vector<16xi32> to vector<1xi32>
        %parallel_loop3A_55 = vector.extract %parallel_loop3A_54[0] : i32 from vector<1xi32>
        %parallel_loop3A_56 = arith.index_cast %parallel_loop3A_49 : i32 to index
        %parallel_loop3A_57 = arith.constant 0 : index
        %parallel_loop3A_58 = tpu.vector_load %arg5[%parallel_loop3A_56, %parallel_loop3A_57] {strides = array<i32>} : memref<256x144xf32, #tpu.memory_space<vmem>>, vector<16xf32>,
        %parallel_loop3A_59 = arith.index_cast %parallel_loop3A_51 : i32 to index
        %parallel_loop3A_60 = arith.constant 0 : index
        %parallel_loop3A_61 = tpu.vector_load %arg5[%parallel_loop3A_59, %parallel_loop3A_60] {strides = array<i32>} : memref<256x144xf32, #tpu.memory_space<vmem>>, vector<16xf32>,
        %parallel_loop3A_62 = arith.addf %parallel_loop3A_58, %parallel_loop3A_61 : vector<16xf32>
        %parallel_loop3A_63 = arith.index_cast %parallel_loop3A_53 : i32 to index
        %parallel_loop3A_64 = arith.constant 0 : index
        %parallel_loop3A_65 = tpu.vector_load %arg5[%parallel_loop3A_63, %parallel_loop3A_64] {strides = array<i32>} : memref<256x144xf32, #tpu.memory_space<vmem>>, vector<16xf32>,
        %parallel_loop3A_66 = arith.index_cast %parallel_loop3A_55 : i32 to index
        %parallel_loop3A_67 = arith.constant 0 : index
        %parallel_loop3A_68 = tpu.vector_load %arg5[%parallel_loop3A_66, %parallel_loop3A_67] {strides = array<i32>} : memref<256x144xf32, #tpu.memory_space<vmem>>, vector<16xf32>,
        %parallel_loop3A_69 = arith.addf %parallel_loop3A_65, %parallel_loop3A_68 : vector<16xf32>
        %parallel_loop3A_70 = arith.addf %parallel_loop3A_62, %parallel_loop3A_69 : vector<16xf32>
        %parallel_loop3A_71 = arith.index_cast %parallel_loop3A_40 : i32 to index
        %parallel_loop3A_72 = arith.constant 0 : index
        %parallel_loop3A_73 = tpu.vector_load %arg7[%parallel_loop3A_71, %parallel_loop3A_72] {strides = array<i32>} : memref<128x144xf32, #tpu.memory_space<vmem>>, vector<16xf32>,
        tpu.vector_store %arg7[%parallel_loop3A_71, %parallel_loop3A_72], %parallel_loop3A_70 {strides = array<i32>} : memref<128x144xf32, #tpu.memory_space<vmem>>, vector<16xf32>,
        %parallel_loop3A_74 = arith.index_cast %parallel_loop3A_49 : i32 to index
        %parallel_loop3A_75 = arith.constant 16 : index
        %parallel_loop3A_76 = tpu.vector_load %arg5[%parallel_loop3A_74, %parallel_loop3A_75] {strides = array<i32>} : memref<256x144xf32, #tpu.memory_space<vmem>>, vector<16xf32>,
        %parallel_loop3A_77 = arith.index_cast %parallel_loop3A_51 : i32 to index
        %parallel_loop3A_78 = arith.constant 16 : index
        %parallel_loop3A_79 = tpu.vector_load %arg5[%parallel_loop3A_77, %parallel_loop3A_78] {strides = array<i32>} : memref<256x144xf32, #tpu.memory_space<vmem>>, vector<16xf32>,
        %parallel_loop3A_80 = arith.addf %parallel_loop3A_76, %parallel_loop3A_79 : vector<16xf32>
        %parallel_loop3A_81 = arith.index_cast %parallel_loop3A_53 : i32 to index
        %parallel_loop3A_82 = arith.constant 16 : index
        %parallel_loop3A_83 = tpu.vector_load %arg5[%parallel_loop3A_81, %parallel_loop3A_82] {strides = array<i32>} : memref<256x144xf32, #tpu.memory_space<vmem>>, vector<16xf32>,
        %parallel_loop3A_84 = arith.index_cast %parallel_loop3A_55 : i32 to index
        %parallel_loop3A_85 = arith.constant 16 : index
        %parallel_loop3A_86 = tpu.vector_load %arg5[%parallel_loop3A_84, %parallel_loop3A_85] {strides = array<i32>} : memref<256x144xf32, #tpu.memory_space<vmem>>, vector<16xf32>,
        %parallel_loop3A_87 = arith.addf %parallel_loop3A_83, %parallel_loop3A_86 : vector<16xf32>
        %parallel_loop3A_88 = arith.addf %parallel_loop3A_80, %parallel_loop3A_87 : vector<16xf32>
        %parallel_loop3A_89 = arith.index_cast %parallel_loop3A_40 : i32 to index
        %parallel_loop3A_90 = arith.constant 16 : index
        %parallel_loop3A_91 = tpu.vector_load %arg7[%parallel_loop3A_89, %parallel_loop3A_90] {strides = array<i32>} : memref<128x144xf32, #tpu.memory_space<vmem>>, vector<16xf32>,
        tpu.vector_store %arg7[%parallel_loop3A_89, %parallel_loop3A_90], %parallel_loop3A_88 {strides = array<i32>} : memref<128x144xf32, #tpu.memory_space<vmem>>, vector<16xf32>,
        %parallel_loop3A_92 = arith.index_cast %parallel_loop3A_49 : i32 to index
        %parallel_loop3A_93 = arith.constant 32 : index
        %parallel_loop3A_94 = tpu.vector_load %arg5[%parallel_loop3A_92, %parallel_loop3A_93] {strides = array<i32>} : memref<256x144xf32, #tpu.memory_space<vmem>>, vector<16xf32>,
        %parallel_loop3A_95 = arith.index_cast %parallel_loop3A_51 : i32 to index
        %parallel_loop3A_96 = arith.constant 32 : index
        %parallel_loop3A_97 = tpu.vector_load %arg5[%parallel_loop3A_95, %parallel_loop3A_96] {strides = array<i32>} : memref<256x144xf32, #tpu.memory_space<vmem>>, vector<16xf32>,
        %parallel_loop3A_98 = arith.addf %parallel_loop3A_94, %parallel_loop3A_97 : vector<16xf32>
        %parallel_loop3A_99 = arith.index_cast %parallel_loop3A_53 : i32 to index
        %parallel_loop3A_100 = arith.constant 32 : index
        %parallel_loop3A_101 = tpu.vector_load %arg5[%parallel_loop3A_99, %parallel_loop3A_100] {strides = array<i32>} : memref<256x144xf32, #tpu.memory_space<vmem>>, vector<16xf32>,
        %parallel_loop3A_102 = arith.index_cast %parallel_loop3A_55 : i32 to index
        %parallel_loop3A_103 = arith.constant 32 : index
        %parallel_loop3A_104 = tpu.vector_load %arg5[%parallel_loop3A_102, %parallel_loop3A_103] {strides = array<i32>} : memref<256x144xf32, #tpu.memory_space<vmem>>, vector<16xf32>,
        %parallel_loop3A_105 = arith.addf %parallel_loop3A_101, %parallel_loop3A_104 : vector<16xf32>
        %parallel_loop3A_106 = arith.addf %parallel_loop3A_98, %parallel_loop3A_105 : vector<16xf32>
        %parallel_loop3A_107 = arith.index_cast %parallel_loop3A_40 : i32 to index
        %parallel_loop3A_108 = arith.constant 32 : index
        %parallel_loop3A_109 = tpu.vector_load %arg7[%parallel_loop3A_107, %parallel_loop3A_108] {strides = array<i32>} : memref<128x144xf32, #tpu.memory_space<vmem>>, vector<16xf32>,
        tpu.vector_store %arg7[%parallel_loop3A_107, %parallel_loop3A_108], %parallel_loop3A_106 {strides = array<i32>} : memref<128x144xf32, #tpu.memory_space<vmem>>, vector<16xf32>,
        %parallel_loop3A_110 = arith.index_cast %parallel_loop3A_49 : i32 to index
        %parallel_loop3A_111 = arith.constant 48 : index
        %parallel_loop3A_112 = tpu.vector_load %arg5[%parallel_loop3A_110, %parallel_loop3A_111] {strides = array<i32>} : memref<256x144xf32, #tpu.memory_space<vmem>>, vector<16xf32>,
        %parallel_loop3A_113 = arith.index_cast %parallel_loop3A_51 : i32 to index
        %parallel_loop3A_114 = arith.constant 48 : index
        %parallel_loop3A_115 = tpu.vector_load %arg5[%parallel_loop3A_113, %parallel_loop3A_114] {strides = array<i32>} : memref<256x144xf32, #tpu.memory_space<vmem>>, vector<16xf32>,
        %parallel_loop3A_116 = arith.addf %parallel_loop3A_112, %parallel_loop3A_115 : vector<16xf32>
        %parallel_loop3A_117 = arith.index_cast %parallel_loop3A_53 : i32 to index
        %parallel_loop3A_118 = arith.constant 48 : index
        %parallel_loop3A_119 = tpu.vector_load %arg5[%parallel_loop3A_117, %parallel_loop3A_118] {strides = array<i32>} : memref<256x144xf32, #tpu.memory_space<vmem>>, vector<16xf32>,
        %parallel_loop3A_120 = arith.index_cast %parallel_loop3A_55 : i32 to index
        %parallel_loop3A_121 = arith.constant 48 : index
        %parallel_loop3A_122 = tpu.vector_load %arg5[%parallel_loop3A_120, %parallel_loop3A_121] {strides = array<i32>} : memref<256x144xf32, #tpu.memory_space<vmem>>, vector<16xf32>,
        %parallel_loop3A_123 = arith.addf %parallel_loop3A_119, %parallel_loop3A_122 : vector<16xf32>
        %parallel_loop3A_124 = arith.addf %parallel_loop3A_116, %parallel_loop3A_123 : vector<16xf32>
        %parallel_loop3A_125 = arith.index_cast %parallel_loop3A_40 : i32 to index
        %parallel_loop3A_126 = arith.constant 48 : index
        %parallel_loop3A_127 = tpu.vector_load %arg7[%parallel_loop3A_125, %parallel_loop3A_126] {strides = array<i32>} : memref<128x144xf32, #tpu.memory_space<vmem>>, vector<16xf32>,
        tpu.vector_store %arg7[%parallel_loop3A_125, %parallel_loop3A_126], %parallel_loop3A_124 {strides = array<i32>} : memref<128x144xf32, #tpu.memory_space<vmem>>, vector<16xf32>,
        %parallel_loop3A_128 = arith.index_cast %parallel_loop3A_49 : i32 to index
        %parallel_loop3A_129 = arith.constant 64 : index
        %parallel_loop3A_130 = tpu.vector_load %arg5[%parallel_loop3A_128, %parallel_loop3A_129] {strides = array<i32>} : memref<256x144xf32, #tpu.memory_space<vmem>>, vector<16xf32>,
        %parallel_loop3A_131 = arith.index_cast %parallel_loop3A_51 : i32 to index
        %parallel_loop3A_132 = arith.constant 64 : index
        %parallel_loop3A_133 = tpu.vector_load %arg5[%parallel_loop3A_131, %parallel_loop3A_132] {strides = array<i32>} : memref<256x144xf32, #tpu.memory_space<vmem>>, vector<16xf32>,
        %parallel_loop3A_134 = arith.addf %parallel_loop3A_130, %parallel_loop3A_133 : vector<16xf32>
        %parallel_loop3A_135 = arith.index_cast %parallel_loop3A_53 : i32 to index
        %parallel_loop3A_136 = arith.constant 64 : index
        %parallel_loop3A_137 = tpu.vector_load %arg5[%parallel_loop3A_135, %parallel_loop3A_136] {strides = array<i32>} : memref<256x144xf32, #tpu.memory_space<vmem>>, vector<16xf32>,
        %parallel_loop3A_138 = arith.index_cast %parallel_loop3A_55 : i32 to index
        %parallel_loop3A_139 = arith.constant 64 : index
        %parallel_loop3A_140 = tpu.vector_load %arg5[%parallel_loop3A_138, %parallel_loop3A_139] {strides = array<i32>} : memref<256x144xf32, #tpu.memory_space<vmem>>, vector<16xf32>,
        %parallel_loop3A_141 = arith.addf %parallel_loop3A_137, %parallel_loop3A_140 : vector<16xf32>
        %parallel_loop3A_142 = arith.addf %parallel_loop3A_134, %parallel_loop3A_141 : vector<16xf32>
        %parallel_loop3A_143 = arith.index_cast %parallel_loop3A_40 : i32 to index
        %parallel_loop3A_144 = arith.constant 64 : index
        %parallel_loop3A_145 = tpu.vector_load %arg7[%parallel_loop3A_143, %parallel_loop3A_144] {strides = array<i32>} : memref<128x144xf32, #tpu.memory_space<vmem>>, vector<16xf32>,
        tpu.vector_store %arg7[%parallel_loop3A_143, %parallel_loop3A_144], %parallel_loop3A_142 {strides = array<i32>} : memref<128x144xf32, #tpu.memory_space<vmem>>, vector<16xf32>,
        %parallel_loop3A_146 = arith.index_cast %parallel_loop3A_49 : i32 to index
        %parallel_loop3A_147 = arith.constant 80 : index
        %parallel_loop3A_148 = tpu.vector_load %arg5[%parallel_loop3A_146, %parallel_loop3A_147] {strides = array<i32>} : memref<256x144xf32, #tpu.memory_space<vmem>>, vector<16xf32>,
        %parallel_loop3A_149 = arith.index_cast %parallel_loop3A_51 : i32 to index
        %parallel_loop3A_150 = arith.constant 80 : index
        %parallel_loop3A_151 = tpu.vector_load %arg5[%parallel_loop3A_149, %parallel_loop3A_150] {strides = array<i32>} : memref<256x144xf32, #tpu.memory_space<vmem>>, vector<16xf32>,
        %parallel_loop3A_152 = arith.addf %parallel_loop3A_148, %parallel_loop3A_151 : vector<16xf32>
        %parallel_loop3A_153 = arith.index_cast %parallel_loop3A_53 : i32 to index
        %parallel_loop3A_154 = arith.constant 80 : index
        %parallel_loop3A_155 = tpu.vector_load %arg5[%parallel_loop3A_153, %parallel_loop3A_154] {strides = array<i32>} : memref<256x144xf32, #tpu.memory_space<vmem>>, vector<16xf32>,
        %parallel_loop3A_156 = arith.index_cast %parallel_loop3A_55 : i32 to index
        %parallel_loop3A_157 = arith.constant 80 : index
        %parallel_loop3A_158 = tpu.vector_load %arg5[%parallel_loop3A_156, %parallel_loop3A_157] {strides = array<i32>} : memref<256x144xf32, #tpu.memory_space<vmem>>, vector<16xf32>,
        %parallel_loop3A_159 = arith.addf %parallel_loop3A_155, %parallel_loop3A_158 : vector<16xf32>
        %parallel_loop3A_160 = arith.addf %parallel_loop3A_152, %parallel_loop3A_159 : vector<16xf32>
        %parallel_loop3A_161 = arith.index_cast %parallel_loop3A_40 : i32 to index
        %parallel_loop3A_162 = arith.constant 80 : index
        %parallel_loop3A_163 = tpu.vector_load %arg7[%parallel_loop3A_161, %parallel_loop3A_162] {strides = array<i32>} : memref<128x144xf32, #tpu.memory_space<vmem>>, vector<16xf32>,
        tpu.vector_store %arg7[%parallel_loop3A_161, %parallel_loop3A_162], %parallel_loop3A_160 {strides = array<i32>} : memref<128x144xf32, #tpu.memory_space<vmem>>, vector<16xf32>,
        %parallel_loop3A_164 = arith.index_cast %parallel_loop3A_49 : i32 to index
        %parallel_loop3A_165 = arith.constant 96 : index
        %parallel_loop3A_166 = tpu.vector_load %arg5[%parallel_loop3A_164, %parallel_loop3A_165] {strides = array<i32>} : memref<256x144xf32, #tpu.memory_space<vmem>>, vector<16xf32>,
        %parallel_loop3A_167 = arith.index_cast %parallel_loop3A_51 : i32 to index
        %parallel_loop3A_168 = arith.constant 96 : index
        %parallel_loop3A_169 = tpu.vector_load %arg5[%parallel_loop3A_167, %parallel_loop3A_168] {strides = array<i32>} : memref<256x144xf32, #tpu.memory_space<vmem>>, vector<16xf32>,
        %parallel_loop3A_170 = arith.addf %parallel_loop3A_166, %parallel_loop3A_169 : vector<16xf32>
        %parallel_loop3A_171 = arith.index_cast %parallel_loop3A_53 : i32 to index
        %parallel_loop3A_172 = arith.constant 96 : index
        %parallel_loop3A_173 = tpu.vector_load %arg5[%parallel_loop3A_171, %parallel_loop3A_172] {strides = array<i32>} : memref<256x144xf32, #tpu.memory_space<vmem>>, vector<16xf32>,
        %parallel_loop3A_174 = arith.index_cast %parallel_loop3A_55 : i32 to index
        %parallel_loop3A_175 = arith.constant 96 : index
        %parallel_loop3A_176 = tpu.vector_load %arg5[%parallel_loop3A_174, %parallel_loop3A_175] {strides = array<i32>} : memref<256x144xf32, #tpu.memory_space<vmem>>, vector<16xf32>,
        %parallel_loop3A_177 = arith.addf %parallel_loop3A_173, %parallel_loop3A_176 : vector<16xf32>
        %parallel_loop3A_178 = arith.addf %parallel_loop3A_170, %parallel_loop3A_177 : vector<16xf32>
        %parallel_loop3A_179 = arith.index_cast %parallel_loop3A_40 : i32 to index
        %parallel_loop3A_180 = arith.constant 96 : index
        %parallel_loop3A_181 = tpu.vector_load %arg7[%parallel_loop3A_179, %parallel_loop3A_180] {strides = array<i32>} : memref<128x144xf32, #tpu.memory_space<vmem>>, vector<16xf32>,
        tpu.vector_store %arg7[%parallel_loop3A_179, %parallel_loop3A_180], %parallel_loop3A_178 {strides = array<i32>} : memref<128x144xf32, #tpu.memory_space<vmem>>, vector<16xf32>,
        %parallel_loop3A_182 = arith.index_cast %parallel_loop3A_49 : i32 to index
        %parallel_loop3A_183 = arith.constant 112 : index
        %parallel_loop3A_184 = tpu.vector_load %arg5[%parallel_loop3A_182, %parallel_loop3A_183] {strides = array<i32>} : memref<256x144xf32, #tpu.memory_space<vmem>>, vector<16xf32>,
        %parallel_loop3A_185 = arith.index_cast %parallel_loop3A_51 : i32 to index
        %parallel_loop3A_186 = arith.constant 112 : index
        %parallel_loop3A_187 = tpu.vector_load %arg5[%parallel_loop3A_185, %parallel_loop3A_186] {strides = array<i32>} : memref<256x144xf32, #tpu.memory_space<vmem>>, vector<16xf32>,
        %parallel_loop3A_188 = arith.addf %parallel_loop3A_184, %parallel_loop3A_187 : vector<16xf32>
        %parallel_loop3A_189 = arith.index_cast %parallel_loop3A_53 : i32 to index
        %parallel_loop3A_190 = arith.constant 112 : index
        %parallel_loop3A_191 = tpu.vector_load %arg5[%parallel_loop3A_189, %parallel_loop3A_190] {strides = array<i32>} : memref<256x144xf32, #tpu.memory_space<vmem>>, vector<16xf32>,
        %parallel_loop3A_192 = arith.index_cast %parallel_loop3A_55 : i32 to index
        %parallel_loop3A_193 = arith.constant 112 : index
        %parallel_loop3A_194 = tpu.vector_load %arg5[%parallel_loop3A_192, %parallel_loop3A_193] {strides = array<i32>} : memref<256x144xf32, #tpu.memory_space<vmem>>, vector<16xf32>,
        %parallel_loop3A_195 = arith.addf %parallel_loop3A_191, %parallel_loop3A_194 : vector<16xf32>
        %parallel_loop3A_196 = arith.addf %parallel_loop3A_188, %parallel_loop3A_195 : vector<16xf32>
        %parallel_loop3A_197 = arith.index_cast %parallel_loop3A_40 : i32 to index
        %parallel_loop3A_198 = arith.constant 112 : index
        %parallel_loop3A_199 = tpu.vector_load %arg7[%parallel_loop3A_197, %parallel_loop3A_198] {strides = array<i32>} : memref<128x144xf32, #tpu.memory_space<vmem>>, vector<16xf32>,
        tpu.vector_store %arg7[%parallel_loop3A_197, %parallel_loop3A_198], %parallel_loop3A_196 {strides = array<i32>} : memref<128x144xf32, #tpu.memory_space<vmem>>, vector<16xf32>,
        %parallel_loop3A_200 = arith.index_cast %parallel_loop3A_49 : i32 to index
        %parallel_loop3A_201 = arith.constant 128 : index
        %parallel_loop3A_202 = tpu.vector_load %arg5[%parallel_loop3A_200, %parallel_loop3A_201] {strides = array<i32>} : memref<256x144xf32, #tpu.memory_space<vmem>>, vector<16xf32>,
        %parallel_loop3A_203 = arith.index_cast %parallel_loop3A_51 : i32 to index
        %parallel_loop3A_204 = arith.constant 128 : index
        %parallel_loop3A_205 = tpu.vector_load %arg5[%parallel_loop3A_203, %parallel_loop3A_204] {strides = array<i32>} : memref<256x144xf32, #tpu.memory_space<vmem>>, vector<16xf32>,
        %parallel_loop3A_206 = arith.addf %parallel_loop3A_202, %parallel_loop3A_205 : vector<16xf32>
        %parallel_loop3A_207 = arith.index_cast %parallel_loop3A_53 : i32 to index
        %parallel_loop3A_208 = arith.constant 128 : index
        %parallel_loop3A_209 = tpu.vector_load %arg5[%parallel_loop3A_207, %parallel_loop3A_208] {strides = array<i32>} : memref<256x144xf32, #tpu.memory_space<vmem>>, vector<16xf32>,
        %parallel_loop3A_210 = arith.index_cast %parallel_loop3A_55 : i32 to index
        %parallel_loop3A_211 = arith.constant 128 : index
        %parallel_loop3A_212 = tpu.vector_load %arg5[%parallel_loop3A_210, %parallel_loop3A_211] {strides = array<i32>} : memref<256x144xf32, #tpu.memory_space<vmem>>, vector<16xf32>,
        %parallel_loop3A_213 = arith.addf %parallel_loop3A_209, %parallel_loop3A_212 : vector<16xf32>
        %parallel_loop3A_214 = arith.addf %parallel_loop3A_206, %parallel_loop3A_213 : vector<16xf32>
        %parallel_loop3A_215 = arith.index_cast %parallel_loop3A_40 : i32 to index
        %parallel_loop3A_216 = arith.constant 128 : index
        %parallel_loop3A_217 = tpu.vector_load %arg7[%parallel_loop3A_215, %parallel_loop3A_216] {strides = array<i32>} : memref<128x144xf32, #tpu.memory_space<vmem>>, vector<16xf32>,
        tpu.vector_store %arg7[%parallel_loop3A_215, %parallel_loop3A_216], %parallel_loop3A_214 {strides = array<i32>} : memref<128x144xf32, #tpu.memory_space<vmem>>, vector<16xf32>,
      } {sc.loop_unroll_factor = 8 : i64, sc.parallel_access}
      %parallel_loop3A_12 = arith.constant 0 : i32
      %parallel_loop3A_13 = arith.constant 125 : i32
      %parallel_loop3A_14 = arith.constant 1 : i32
      %parallel_loop3A_15:8 = scf.for %parallel_loop3A_40 = %parallel_loop3A_12 to %parallel_loop3A_13 step %parallel_loop3A_14 iter_args(%parallel_loop3A_41 = %broadcast_in_dim3A_1, %parallel_loop3A_42 = %broadcast_in_dim3A_1, %parallel_loop3A_43 = %broadcast_in_dim3A_1, %parallel_loop3A_44 = %broadcast_in_dim3A_1, %parallel_loop3A_45 = %broadcast_in_dim3A_1, %parallel_loop3A_46 = %broadcast_in_dim3A_1, %parallel_loop3A_47 = %broadcast_in_dim3A_1, %parallel_loop3A_48 = %broadcast_in_dim3A_1) -> (vector<16xf32>, vector<16xf32>, vector<16xf32>, vector<16xf32>, vector<16xf32>, vector<16xf32>, vector<16xf32>, vector<16xf32>)  : i32 {
        %parallel_loop3A_49 = arith.index_cast %parallel_loop3A_40 : i32 to index
        %parallel_loop3A_50 = arith.constant 13 : index
        %parallel_loop3A_51 = tpu.vector_load %arg7[%parallel_loop3A_49, %parallel_loop3A_50] {strides = array<i32>} : memref<128x144xf32, #tpu.memory_space<vmem>>, vector<16xf32>,
        %parallel_loop3A_52 = arith.constant 1 : i32
        %parallel_loop3A_53 = arith.addi %parallel_loop3A_40, %parallel_loop3A_52 : i32
        %parallel_loop3A_54 = arith.index_cast %parallel_loop3A_53 : i32 to index
        %parallel_loop3A_55 = arith.constant 14 : index
        %parallel_loop3A_56 = tpu.vector_load %arg7[%parallel_loop3A_54, %parallel_loop3A_55] {strides = array<i32>} : memref<128x144xf32, #tpu.memory_space<vmem>>, vector<16xf32>,
        %parallel_loop3A_57 = arith.mulf %parallel_loop3A_51, %parallel_loop3A_56 : vector<16xf32>
        %parallel_loop3A_58 = arith.constant 2 : i32
        %parallel_loop3A_59 = arith.addi %parallel_loop3A_40, %parallel_loop3A_58 : i32
        %parallel_loop3A_60 = arith.index_cast %parallel_loop3A_59 : i32 to index
        %parallel_loop3A_61 = arith.constant 15 : index
        %parallel_loop3A_62 = tpu.vector_load %arg7[%parallel_loop3A_60, %parallel_loop3A_61] {strides = array<i32>} : memref<128x144xf32, #tpu.memory_space<vmem>>, vector<16xf32>,
        %parallel_loop3A_63 = arith.constant 3 : i32
        %parallel_loop3A_64 = arith.addi %parallel_loop3A_40, %parallel_loop3A_63 : i32
        %parallel_loop3A_65 = arith.index_cast %parallel_loop3A_64 : i32 to index
        %parallel_loop3A_66 = arith.constant 16 : index
        %parallel_loop3A_67 = tpu.vector_load %arg7[%parallel_loop3A_65, %parallel_loop3A_66] {strides = array<i32>} : memref<128x144xf32, #tpu.memory_space<vmem>>, vector<16xf32>,
        %parallel_loop3A_68 = arith.mulf %parallel_loop3A_62, %parallel_loop3A_67 : vector<16xf32>
        %parallel_loop3A_69 = arith.mulf %parallel_loop3A_57, %parallel_loop3A_68 : vector<16xf32>
        %parallel_loop3A_70 = arith.addf %parallel_loop3A_41, %parallel_loop3A_69 : vector<16xf32>
        %parallel_loop3A_71 = arith.index_cast %parallel_loop3A_40 : i32 to index
        %parallel_loop3A_72 = arith.constant 29 : index
        %parallel_loop3A_73 = tpu.vector_load %arg7[%parallel_loop3A_71, %parallel_loop3A_72] {strides = array<i32>} : memref<128x144xf32, #tpu.memory_space<vmem>>, vector<16xf32>,
        %parallel_loop3A_74 = arith.constant 1 : i32
        %parallel_loop3A_75 = arith.addi %parallel_loop3A_40, %parallel_loop3A_74 : i32
        %parallel_loop3A_76 = arith.index_cast %parallel_loop3A_75 : i32 to index
        %parallel_loop3A_77 = arith.constant 30 : index
        %parallel_loop3A_78 = tpu.vector_load %arg7[%parallel_loop3A_76, %parallel_loop3A_77] {strides = array<i32>} : memref<128x144xf32, #tpu.memory_space<vmem>>, vector<16xf32>,
        %parallel_loop3A_79 = arith.mulf %parallel_loop3A_73, %parallel_loop3A_78 : vector<16xf32>
        %parallel_loop3A_80 = arith.constant 2 : i32
        %parallel_loop3A_81 = arith.addi %parallel_loop3A_40, %parallel_loop3A_80 : i32
        %parallel_loop3A_82 = arith.index_cast %parallel_loop3A_81 : i32 to index
        %parallel_loop3A_83 = arith.constant 31 : index
        %parallel_loop3A_84 = tpu.vector_load %arg7[%parallel_loop3A_82, %parallel_loop3A_83] {strides = array<i32>} : memref<128x144xf32, #tpu.memory_space<vmem>>, vector<16xf32>,
        %parallel_loop3A_85 = arith.constant 3 : i32
        %parallel_loop3A_86 = arith.addi %parallel_loop3A_40, %parallel_loop3A_85 : i32
        %parallel_loop3A_87 = arith.index_cast %parallel_loop3A_86 : i32 to index
        %parallel_loop3A_88 = arith.constant 32 : index
        %parallel_loop3A_89 = tpu.vector_load %arg7[%parallel_loop3A_87, %parallel_loop3A_88] {strides = array<i32>} : memref<128x144xf32, #tpu.memory_space<vmem>>, vector<16xf32>,
        %parallel_loop3A_90 = arith.mulf %parallel_loop3A_84, %parallel_loop3A_89 : vector<16xf32>
        %parallel_loop3A_91 = arith.mulf %parallel_loop3A_79, %parallel_loop3A_90 : vector<16xf32>
        %parallel_loop3A_92 = arith.addf %parallel_loop3A_42, %parallel_loop3A_91 : vector<16xf32>
        %parallel_loop3A_93 = arith.index_cast %parallel_loop3A_40 : i32 to index
        %parallel_loop3A_94 = arith.constant 45 : index
        %parallel_loop3A_95 = tpu.vector_load %arg7[%parallel_loop3A_93, %parallel_loop3A_94] {strides = array<i32>} : memref<128x144xf32, #tpu.memory_space<vmem>>, vector<16xf32>,
        %parallel_loop3A_96 = arith.constant 1 : i32
        %parallel_loop3A_97 = arith.addi %parallel_loop3A_40, %parallel_loop3A_96 : i32
        %parallel_loop3A_98 = arith.index_cast %parallel_loop3A_97 : i32 to index
        %parallel_loop3A_99 = arith.constant 46 : index
        %parallel_loop3A_100 = tpu.vector_load %arg7[%parallel_loop3A_98, %parallel_loop3A_99] {strides = array<i32>} : memref<128x144xf32, #tpu.memory_space<vmem>>, vector<16xf32>,
        %parallel_loop3A_101 = arith.mulf %parallel_loop3A_95, %parallel_loop3A_100 : vector<16xf32>
        %parallel_loop3A_102 = arith.constant 2 : i32
        %parallel_loop3A_103 = arith.addi %parallel_loop3A_40, %parallel_loop3A_102 : i32
        %parallel_loop3A_104 = arith.index_cast %parallel_loop3A_103 : i32 to index
        %parallel_loop3A_105 = arith.constant 47 : index
        %parallel_loop3A_106 = tpu.vector_load %arg7[%parallel_loop3A_104, %parallel_loop3A_105] {strides = array<i32>} : memref<128x144xf32, #tpu.memory_space<vmem>>, vector<16xf32>,
        %parallel_loop3A_107 = arith.constant 3 : i32
        %parallel_loop3A_108 = arith.addi %parallel_loop3A_40, %parallel_loop3A_107 : i32
        %parallel_loop3A_109 = arith.index_cast %parallel_loop3A_108 : i32 to index
        %parallel_loop3A_110 = arith.constant 48 : index
        %parallel_loop3A_111 = tpu.vector_load %arg7[%parallel_loop3A_109, %parallel_loop3A_110] {strides = array<i32>} : memref<128x144xf32, #tpu.memory_space<vmem>>, vector<16xf32>,
        %parallel_loop3A_112 = arith.mulf %parallel_loop3A_106, %parallel_loop3A_111 : vector<16xf32>
        %parallel_loop3A_113 = arith.mulf %parallel_loop3A_101, %parallel_loop3A_112 : vector<16xf32>
        %parallel_loop3A_114 = arith.addf %parallel_loop3A_43, %parallel_loop3A_113 : vector<16xf32>
        %parallel_loop3A_115 = arith.index_cast %parallel_loop3A_40 : i32 to index
        %parallel_loop3A_116 = arith.constant 61 : index
        %parallel_loop3A_117 = tpu.vector_load %arg7[%parallel_loop3A_115, %parallel_loop3A_116] {strides = array<i32>} : memref<128x144xf32, #tpu.memory_space<vmem>>, vector<16xf32>,
        %parallel_loop3A_118 = arith.constant 1 : i32
        %parallel_loop3A_119 = arith.addi %parallel_loop3A_40, %parallel_loop3A_118 : i32
        %parallel_loop3A_120 = arith.index_cast %parallel_loop3A_119 : i32 to index
        %parallel_loop3A_121 = arith.constant 62 : index
        %parallel_loop3A_122 = tpu.vector_load %arg7[%parallel_loop3A_120, %parallel_loop3A_121] {strides = array<i32>} : memref<128x144xf32, #tpu.memory_space<vmem>>, vector<16xf32>,
        %parallel_loop3A_123 = arith.mulf %parallel_loop3A_117, %parallel_loop3A_122 : vector<16xf32>
        %parallel_loop3A_124 = arith.constant 2 : i32
        %parallel_loop3A_125 = arith.addi %parallel_loop3A_40, %parallel_loop3A_124 : i32
        %parallel_loop3A_126 = arith.index_cast %parallel_loop3A_125 : i32 to index
        %parallel_loop3A_127 = arith.constant 63 : index
        %parallel_loop3A_128 = tpu.vector_load %arg7[%parallel_loop3A_126, %parallel_loop3A_127] {strides = array<i32>} : memref<128x144xf32, #tpu.memory_space<vmem>>, vector<16xf32>,
        %parallel_loop3A_129 = arith.constant 3 : i32
        %parallel_loop3A_130 = arith.addi %parallel_loop3A_40, %parallel_loop3A_129 : i32
        %parallel_loop3A_131 = arith.index_cast %parallel_loop3A_130 : i32 to index
        %parallel_loop3A_132 = arith.constant 64 : index
        %parallel_loop3A_133 = tpu.vector_load %arg7[%parallel_loop3A_131, %parallel_loop3A_132] {strides = array<i32>} : memref<128x144xf32, #tpu.memory_space<vmem>>, vector<16xf32>,
        %parallel_loop3A_134 = arith.mulf %parallel_loop3A_128, %parallel_loop3A_133 : vector<16xf32>
        %parallel_loop3A_135 = arith.mulf %parallel_loop3A_123, %parallel_loop3A_134 : vector<16xf32>
        %parallel_loop3A_136 = arith.addf %parallel_loop3A_44, %parallel_loop3A_135 : vector<16xf32>
        %parallel_loop3A_137 = arith.index_cast %parallel_loop3A_40 : i32 to index
        %parallel_loop3A_138 = arith.constant 77 : index
        %parallel_loop3A_139 = tpu.vector_load %arg7[%parallel_loop3A_137, %parallel_loop3A_138] {strides = array<i32>} : memref<128x144xf32, #tpu.memory_space<vmem>>, vector<16xf32>,
        %parallel_loop3A_140 = arith.constant 1 : i32
        %parallel_loop3A_141 = arith.addi %parallel_loop3A_40, %parallel_loop3A_140 : i32
        %parallel_loop3A_142 = arith.index_cast %parallel_loop3A_141 : i32 to index
        %parallel_loop3A_143 = arith.constant 78 : index
        %parallel_loop3A_144 = tpu.vector_load %arg7[%parallel_loop3A_142, %parallel_loop3A_143] {strides = array<i32>} : memref<128x144xf32, #tpu.memory_space<vmem>>, vector<16xf32>,
        %parallel_loop3A_145 = arith.mulf %parallel_loop3A_139, %parallel_loop3A_144 : vector<16xf32>
        %parallel_loop3A_146 = arith.constant 2 : i32
        %parallel_loop3A_147 = arith.addi %parallel_loop3A_40, %parallel_loop3A_146 : i32
        %parallel_loop3A_148 = arith.index_cast %parallel_loop3A_147 : i32 to index
        %parallel_loop3A_149 = arith.constant 79 : index
        %parallel_loop3A_150 = tpu.vector_load %arg7[%parallel_loop3A_148, %parallel_loop3A_149] {strides = array<i32>} : memref<128x144xf32, #tpu.memory_space<vmem>>, vector<16xf32>,
        %parallel_loop3A_151 = arith.constant 3 : i32
        %parallel_loop3A_152 = arith.addi %parallel_loop3A_40, %parallel_loop3A_151 : i32
        %parallel_loop3A_153 = arith.index_cast %parallel_loop3A_152 : i32 to index
        %parallel_loop3A_154 = arith.constant 80 : index
        %parallel_loop3A_155 = tpu.vector_load %arg7[%parallel_loop3A_153, %parallel_loop3A_154] {strides = array<i32>} : memref<128x144xf32, #tpu.memory_space<vmem>>, vector<16xf32>,
        %parallel_loop3A_156 = arith.mulf %parallel_loop3A_150, %parallel_loop3A_155 : vector<16xf32>
        %parallel_loop3A_157 = arith.mulf %parallel_loop3A_145, %parallel_loop3A_156 : vector<16xf32>
        %parallel_loop3A_158 = arith.addf %parallel_loop3A_45, %parallel_loop3A_157 : vector<16xf32>
        %parallel_loop3A_159 = arith.index_cast %parallel_loop3A_40 : i32 to index
        %parallel_loop3A_160 = arith.constant 93 : index
        %parallel_loop3A_161 = tpu.vector_load %arg7[%parallel_loop3A_159, %parallel_loop3A_160] {strides = array<i32>} : memref<128x144xf32, #tpu.memory_space<vmem>>, vector<16xf32>,
        %parallel_loop3A_162 = arith.constant 1 : i32
        %parallel_loop3A_163 = arith.addi %parallel_loop3A_40, %parallel_loop3A_162 : i32
        %parallel_loop3A_164 = arith.index_cast %parallel_loop3A_163 : i32 to index
        %parallel_loop3A_165 = arith.constant 94 : index
        %parallel_loop3A_166 = tpu.vector_load %arg7[%parallel_loop3A_164, %parallel_loop3A_165] {strides = array<i32>} : memref<128x144xf32, #tpu.memory_space<vmem>>, vector<16xf32>,
        %parallel_loop3A_167 = arith.mulf %parallel_loop3A_161, %parallel_loop3A_166 : vector<16xf32>
        %parallel_loop3A_168 = arith.constant 2 : i32
        %parallel_loop3A_169 = arith.addi %parallel_loop3A_40, %parallel_loop3A_168 : i32
        %parallel_loop3A_170 = arith.index_cast %parallel_loop3A_169 : i32 to index
        %parallel_loop3A_171 = arith.constant 95 : index
        %parallel_loop3A_172 = tpu.vector_load %arg7[%parallel_loop3A_170, %parallel_loop3A_171] {strides = array<i32>} : memref<128x144xf32, #tpu.memory_space<vmem>>, vector<16xf32>,
        %parallel_loop3A_173 = arith.constant 3 : i32
        %parallel_loop3A_174 = arith.addi %parallel_loop3A_40, %parallel_loop3A_173 : i32
        %parallel_loop3A_175 = arith.index_cast %parallel_loop3A_174 : i32 to index
        %parallel_loop3A_176 = arith.constant 96 : index
        %parallel_loop3A_177 = tpu.vector_load %arg7[%parallel_loop3A_175, %parallel_loop3A_176] {strides = array<i32>} : memref<128x144xf32, #tpu.memory_space<vmem>>, vector<16xf32>,
        %parallel_loop3A_178 = arith.mulf %parallel_loop3A_172, %parallel_loop3A_177 : vector<16xf32>
        %parallel_loop3A_179 = arith.mulf %parallel_loop3A_167, %parallel_loop3A_178 : vector<16xf32>
        %parallel_loop3A_180 = arith.addf %parallel_loop3A_46, %parallel_loop3A_179 : vector<16xf32>
        %parallel_loop3A_181 = arith.index_cast %parallel_loop3A_40 : i32 to index
        %parallel_loop3A_182 = arith.constant 109 : index
        %parallel_loop3A_183 = tpu.vector_load %arg7[%parallel_loop3A_181, %parallel_loop3A_182] {strides = array<i32>} : memref<128x144xf32, #tpu.memory_space<vmem>>, vector<16xf32>,
        %parallel_loop3A_184 = arith.constant 1 : i32
        %parallel_loop3A_185 = arith.addi %parallel_loop3A_40, %parallel_loop3A_184 : i32
        %parallel_loop3A_186 = arith.index_cast %parallel_loop3A_185 : i32 to index
        %parallel_loop3A_187 = arith.constant 110 : index
        %parallel_loop3A_188 = tpu.vector_load %arg7[%parallel_loop3A_186, %parallel_loop3A_187] {strides = array<i32>} : memref<128x144xf32, #tpu.memory_space<vmem>>, vector<16xf32>,
        %parallel_loop3A_189 = arith.mulf %parallel_loop3A_183, %parallel_loop3A_188 : vector<16xf32>
        %parallel_loop3A_190 = arith.constant 2 : i32
        %parallel_loop3A_191 = arith.addi %parallel_loop3A_40, %parallel_loop3A_190 : i32
        %parallel_loop3A_192 = arith.index_cast %parallel_loop3A_191 : i32 to index
        %parallel_loop3A_193 = arith.constant 111 : index
        %parallel_loop3A_194 = tpu.vector_load %arg7[%parallel_loop3A_192, %parallel_loop3A_193] {strides = array<i32>} : memref<128x144xf32, #tpu.memory_space<vmem>>, vector<16xf32>,
        %parallel_loop3A_195 = arith.constant 3 : i32
        %parallel_loop3A_196 = arith.addi %parallel_loop3A_40, %parallel_loop3A_195 : i32
        %parallel_loop3A_197 = arith.index_cast %parallel_loop3A_196 : i32 to index
        %parallel_loop3A_198 = arith.constant 112 : index
        %parallel_loop3A_199 = tpu.vector_load %arg7[%parallel_loop3A_197, %parallel_loop3A_198] {strides = array<i32>} : memref<128x144xf32, #tpu.memory_space<vmem>>, vector<16xf32>,
        %parallel_loop3A_200 = arith.mulf %parallel_loop3A_194, %parallel_loop3A_199 : vector<16xf32>
        %parallel_loop3A_201 = arith.mulf %parallel_loop3A_189, %parallel_loop3A_200 : vector<16xf32>
        %parallel_loop3A_202 = arith.addf %parallel_loop3A_47, %parallel_loop3A_201 : vector<16xf32>
        %parallel_loop3A_203 = arith.index_cast %parallel_loop3A_40 : i32 to index
        %parallel_loop3A_204 = arith.constant 125 : index
        %parallel_loop3A_205 = tpu.vector_load %arg7[%parallel_loop3A_203, %parallel_loop3A_204] {strides = array<i32>} : memref<128x144xf32, #tpu.memory_space<vmem>>, vector<16xf32>,
        %parallel_loop3A_206 = arith.constant 1 : i32
        %parallel_loop3A_207 = arith.addi %parallel_loop3A_40, %parallel_loop3A_206 : i32
        %parallel_loop3A_208 = arith.index_cast %parallel_loop3A_207 : i32 to index
        %parallel_loop3A_209 = arith.constant 126 : index
        %parallel_loop3A_210 = tpu.vector_load %arg7[%parallel_loop3A_208, %parallel_loop3A_209] {strides = array<i32>} : memref<128x144xf32, #tpu.memory_space<vmem>>, vector<16xf32>,
        %parallel_loop3A_211 = arith.mulf %parallel_loop3A_205, %parallel_loop3A_210 : vector<16xf32>
        %parallel_loop3A_212 = arith.constant 2 : i32
        %parallel_loop3A_213 = arith.addi %parallel_loop3A_40, %parallel_loop3A_212 : i32
        %parallel_loop3A_214 = arith.index_cast %parallel_loop3A_213 : i32 to index
        %parallel_loop3A_215 = arith.constant 127 : index
        %parallel_loop3A_216 = tpu.vector_load %arg7[%parallel_loop3A_214, %parallel_loop3A_215] {strides = array<i32>} : memref<128x144xf32, #tpu.memory_space<vmem>>, vector<16xf32>,
        %parallel_loop3A_217 = arith.constant 3 : i32
        %parallel_loop3A_218 = arith.addi %parallel_loop3A_40, %parallel_loop3A_217 : i32
        %parallel_loop3A_219 = arith.index_cast %parallel_loop3A_218 : i32 to index
        %parallel_loop3A_220 = arith.constant 128 : index
        %parallel_loop3A_221 = tpu.vector_load %arg7[%parallel_loop3A_219, %parallel_loop3A_220] {strides = array<i32>} : memref<128x144xf32, #tpu.memory_space<vmem>>, vector<16xf32>,
        %parallel_loop3A_222 = arith.mulf %parallel_loop3A_216, %parallel_loop3A_221 : vector<16xf32>
        %parallel_loop3A_223 = arith.mulf %parallel_loop3A_211, %parallel_loop3A_222 : vector<16xf32>
        %parallel_loop3A_224 = arith.addf %parallel_loop3A_48, %parallel_loop3A_223 : vector<16xf32>
        scf.yield %parallel_loop3A_70, %parallel_loop3A_92, %parallel_loop3A_114, %parallel_loop3A_136, %parallel_loop3A_158, %parallel_loop3A_180, %parallel_loop3A_202, %parallel_loop3A_224 : vector<16xf32>, vector<16xf32>, vector<16xf32>, vector<16xf32>, vector<16xf32>, vector<16xf32>, vector<16xf32>, vector<16xf32>
      } {sc.loop_unroll_factor = 1 : i64, sc.parallel_access}
      %swap3A = arith.index_cast %scan3A_8 : i32 to index
      %swap3A_16 = arith.constant 0 : index
      %swap3A_17 = tpu.vector_load %arg8[%swap3A, %swap3A_16] {strides = array<i32>} : memref<32x128xf32, #tpu.memory_space<vmem>>, vector<16xf32>,
      tpu.vector_store %arg8[%swap3A, %swap3A_16], %parallel_loop3A_15#0 {strides = array<i32>} : memref<32x128xf32, #tpu.memory_space<vmem>>, vector<16xf32>,
      %swap3A_18 = arith.index_cast %scan3A_8 : i32 to index
      %swap3A_19 = arith.constant 16 : index
      %swap3A_20 = tpu.vector_load %arg8[%swap3A_18, %swap3A_19] {strides = array<i32>} : memref<32x128xf32, #tpu.memory_space<vmem>>, vector<16xf32>,
      tpu.vector_store %arg8[%swap3A_18, %swap3A_19], %parallel_loop3A_15#1 {strides = array<i32>} : memref<32x128xf32, #tpu.memory_space<vmem>>, vector<16xf32>,
      %swap3A_21 = arith.index_cast %scan3A_8 : i32 to index
      %swap3A_22 = arith.constant 32 : index
      %swap3A_23 = tpu.vector_load %arg8[%swap3A_21, %swap3A_22] {strides = array<i32>} : memref<32x128xf32, #tpu.memory_space<vmem>>, vector<16xf32>,
      tpu.vector_store %arg8[%swap3A_21, %swap3A_22], %parallel_loop3A_15#2 {strides = array<i32>} : memref<32x128xf32, #tpu.memory_space<vmem>>, vector<16xf32>,
      %swap3A_24 = arith.index_cast %scan3A_8 : i32 to index
      %swap3A_25 = arith.constant 48 : index
      %swap3A_26 = tpu.vector_load %arg8[%swap3A_24, %swap3A_25] {strides = array<i32>} : memref<32x128xf32, #tpu.memory_space<vmem>>, vector<16xf32>,
      tpu.vector_store %arg8[%swap3A_24, %swap3A_25], %parallel_loop3A_15#3 {strides = array<i32>} : memref<32x128xf32, #tpu.memory_space<vmem>>, vector<16xf32>,
      %swap3A_27 = arith.index_cast %scan3A_8 : i32 to index
      %swap3A_28 = arith.constant 64 : index
      %swap3A_29 = tpu.vector_load %arg8[%swap3A_27, %swap3A_28] {strides = array<i32>} : memref<32x128xf32, #tpu.memory_space<vmem>>, vector<16xf32>,
      tpu.vector_store %arg8[%swap3A_27, %swap3A_28], %parallel_loop3A_15#4 {strides = array<i32>} : memref<32x128xf32, #tpu.memory_space<vmem>>, vector<16xf32>,
      %swap3A_30 = arith.index_cast %scan3A_8 : i32 to index
      %swap3A_31 = arith.constant 80 : index
      %swap3A_32 = tpu.vector_load %arg8[%swap3A_30, %swap3A_31] {strides = array<i32>} : memref<32x128xf32, #tpu.memory_space<vmem>>, vector<16xf32>,
      tpu.vector_store %arg8[%swap3A_30, %swap3A_31], %parallel_loop3A_15#5 {strides = array<i32>} : memref<32x128xf32, #tpu.memory_space<vmem>>, vector<16xf32>,
      %swap3A_33 = arith.index_cast %scan3A_8 : i32 to index
      %swap3A_34 = arith.constant 96 : index
      %swap3A_35 = tpu.vector_load %arg8[%swap3A_33, %swap3A_34] {strides = array<i32>} : memref<32x128xf32, #tpu.memory_space<vmem>>, vector<16xf32>,
      tpu.vector_store %arg8[%swap3A_33, %swap3A_34], %parallel_loop3A_15#6 {strides = array<i32>} : memref<32x128xf32, #tpu.memory_space<vmem>>, vector<16xf32>,
      %swap3A_36 = arith.index_cast %scan3A_8 : i32 to index
      %swap3A_37 = arith.constant 112 : index
      %swap3A_38 = tpu.vector_load %arg8[%swap3A_36, %swap3A_37] {strides = array<i32>} : memref<32x128xf32, #tpu.memory_space<vmem>>, vector<16xf32>,
      tpu.vector_store %arg8[%swap3A_36, %swap3A_37], %parallel_loop3A_15#7 {strides = array<i32>} : memref<32x128xf32, #tpu.memory_space<vmem>>, vector<16xf32>,
      %scan3A_39 = arith.constant 0 : i32
      scf.yield %scan3A_39 : i32
    }
    %scan3A_7 = arith.constant 32 : i32
    "tpu.region"() ({
      %run_scoped3A = tpu.sem_alloc : memref<!tpu.dma_semaphore, #tpu.memory_space<semaphore_mem>>
      %dma_start3A = arith.constant 0 : i32
      %dma_start3A_8 = arith.constant 0 : i32
      %dma_start3A_9 = tpu.memref_slice %arg4[%add3A, %dma_start3A, %dma_start3A_8] : memref<32x32x128xf32, #tpu.memory_space<hbm>> -> memref<1x32x128xf32, #tpu.memory_space<hbm>>
      %dma_start3A_10 = tpu.memref_squeeze %dma_start3A_9 : memref<1x32x128xf32, #tpu.memory_space<hbm>> -> memref<32x128xf32, #tpu.memory_space<hbm>>
      %dma_start3A_11 = arith.constant 0 : i32
      %dma_start3A_12 = arith.constant 0 : i32
      %dma_start3A_13 = tpu.memref_slice %arg4[%add3A, %dma_start3A_11, %dma_start3A_12] : memref<32x32x128xf32, #tpu.memory_space<hbm>> -> memref<1x32x128xf32, #tpu.memory_space<hbm>>
      %dma_start3A_14 = tpu.memref_squeeze %dma_start3A_13 : memref<1x32x128xf32, #tpu.memory_space<hbm>> -> memref<32x128xf32, #tpu.memory_space<hbm>>
      tpu.enqueue_dma source(%arg8 : memref<32x128xf32, #tpu.memory_space<vmem>>) target(%dma_start3A_14 : memref<32x128xf32, #tpu.memory_space<hbm>>) target_semaphore(%run_scoped3A : memref<!tpu.dma_semaphore, #tpu.memory_space<semaphore_mem>>)
      %dma_wait3A = arith.constant 0 : i32
      %dma_wait3A_15 = arith.constant 0 : i32
      %dma_wait3A_16 = tpu.memref_slice %arg4[%add3A, %dma_wait3A, %dma_wait3A_15] : memref<32x32x128xf32, #tpu.memory_space<hbm>> -> memref<1x32x128xf32, #tpu.memory_space<hbm>>
      %dma_wait3A_17 = tpu.memref_squeeze %dma_wait3A_16 : memref<1x32x128xf32, #tpu.memory_space<hbm>> -> memref<32x128xf32, #tpu.memory_space<hbm>>
      %dma_wait3A_18 = arith.constant 0 : i32
      %dma_wait3A_19 = arith.constant 0 : i32
      %dma_wait3A_20 = tpu.memref_slice %arg4[%add3A, %dma_wait3A_18, %dma_wait3A_19] : memref<32x32x128xf32, #tpu.memory_space<hbm>> -> memref<1x32x128xf32, #tpu.memory_space<hbm>>
      %dma_wait3A_21 = tpu.memref_squeeze %dma_wait3A_20 : memref<1x32x128xf32, #tpu.memory_space<hbm>> -> memref<32x128xf32, #tpu.memory_space<hbm>>
      tpu.wait_dma2 semaphore(%run_scoped3A : memref<!tpu.dma_semaphore, #tpu.memory_space<semaphore_mem>>) src(%arg8 : memref<32x128xf32, #tpu.memory_space<vmem>>) dst(%dma_wait3A_21 : memref<32x128xf32, #tpu.memory_space<hbm>>)
      tpu.yield
    }) : () -> ()
    return
  }
}

module attributes {stable_mosaic.version = 14 : i64} {
  func.func @_prep_body(%arg0: memref<32x128x4xf32, #tpu.memory_space<vmem>>, %arg1: memref<64x4096xf32, #tpu.memory_space<vmem>>, %arg2: memref<4x4096xf32, #tpu.memory_space<vmem>>, %arg3: memref<4096x4xi32, #tpu.memory_space<vmem>>, %arg4: memref<256x4096xf32, #tpu.memory_space<vmem>>) attributes {dimension_semantics = [], scalar_prefetch = 0 : i64, scratch_operands = 0 : i64, tpu.core_type = #tpu.core_type<tc>} {
    %get3A = arith.constant 0 : index
    %get3A_0 = arith.constant 0 : index
    %get3A_1 = arith.constant 0 : index
    %get3A_2 = vector.load %arg0[%get3A, %get3A_0, %get3A_1] : memref<32x128x4xf32, #tpu.memory_space<vmem>>, vector<32x128x4xf32>
    %reshape3A = vector.shape_cast %get3A_2 : vector<32x128x4xf32> to vector<4096x4xf32>
    %sub3A = arith.constant 0.000000e+00 : f32
    %sub3A_3 = vector.broadcast %sub3A : f32 to vector<4096x4xf32>
    %sub3A_4 = arith.subf %reshape3A, %sub3A_3 : vector<4096x4xf32>
    %div3A = arith.constant 2.000000e+01 : f32
    %div3A_5 = vector.broadcast %div3A : f32 to vector<4096x4xf32>
    %div3A_6 = arith.divf %sub3A_4, %div3A_5 : vector<4096x4xf32>
    %mul3A = arith.constant 6.300000e+01 : f32
    %mul3A_7 = vector.broadcast %mul3A : f32 to vector<4096x4xf32>
    %mul3A_8 = arith.mulf %div3A_6, %mul3A_7 : vector<4096x4xf32>
    %round3A = math.roundeven %mul3A_8 : vector<4096x4xf32>
    %jit3A = arith.constant 0 : i32
    %jit3A_9 = arith.constant 63 : i32
    %convert_element_type3A = arith.sitofp %jit3A : i32 to f32
    %max3A = vector.broadcast %convert_element_type3A : f32 to vector<4096x4xf32>
    %max3A_10 = arith.maximumf %max3A, %round3A : vector<4096x4xf32>
    %convert_element_type3A_11 = arith.sitofp %jit3A_9 : i32 to f32
    %min3A = vector.broadcast %convert_element_type3A_11 : f32 to vector<4096x4xf32>
    %min3A_12 = arith.minimumf %min3A, %max3A_10 : vector<4096x4xf32>
    %convert_element_type3A_13 = arith.fptosi %min3A_12 : vector<4096x4xf32> to vector<4096x4xi32>
    %iota3A = tpu.iota {dimensions = array<i32: 1>} : vector<4096x4xi32>
    %mul3A_14 = arith.constant 64 : i32
    %mul3A_15 = vector.broadcast %mul3A_14 : i32 to vector<4096x4xi32>
    %mul3A_16 = arith.muli %iota3A, %mul3A_15 : vector<4096x4xi32>
    %add3A = arith.addi %convert_element_type3A_13, %mul3A_16 : vector<4096x4xi32>
    %swap3A = arith.constant 0 : index
    %swap3A_17 = arith.constant 0 : index
    %swap3A_18 = vector.load %arg3[%swap3A, %swap3A_17] : memref<4096x4xi32, #tpu.memory_space<vmem>>, vector<4096x4xi32>
    tpu.vector_store %arg3[%swap3A, %swap3A_17], %add3A {strides = array<i32>} : memref<4096x4xi32, #tpu.memory_space<vmem>>, vector<4096x4xi32>,
    %get3A_19 = arith.constant 0 : index
    %get3A_20 = arith.constant 0 : index
    %get3A_21 = vector.load %arg1[%get3A_19, %get3A_20] : memref<64x4096xf32, #tpu.memory_space<vmem>>, vector<64x4096xf32>
    %get3A_22 = arith.constant 0 : index
    %get3A_23 = arith.constant 0 : index
    %get3A_24 = vector.load %arg2[%get3A_22, %get3A_23] : memref<4x4096xf32, #tpu.memory_space<vmem>>, vector<4x4096xf32>
    %broadcast_in_dim3A = vector.shape_cast %get3A_24 : vector<4x4096xf32> to vector<4x1x4096xf32>
    %broadcast_in_dim3A_25 = vector.shape_cast %get3A_21 : vector<64x4096xf32> to vector<1x64x4096xf32>
    %mul3A_26 = vector.broadcast %broadcast_in_dim3A : vector<4x1x4096xf32> to vector<4x64x4096xf32>
    %mul3A_27 = vector.broadcast %broadcast_in_dim3A_25 : vector<1x64x4096xf32> to vector<4x64x4096xf32>
    %mul3A_28 = arith.mulf %mul3A_26, %mul3A_27 : vector<4x64x4096xf32>
    %reshape3A_29 = vector.shape_cast %mul3A_28 : vector<4x64x4096xf32> to vector<256x4096xf32>
    %swap3A_30 = arith.constant 0 : index
    %swap3A_31 = arith.constant 0 : index
    %swap3A_32 = vector.load %arg4[%swap3A_30, %swap3A_31] : memref<256x4096xf32, #tpu.memory_space<vmem>>, vector<256x4096xf32>
    tpu.vector_store %arg4[%swap3A_30, %swap3A_31], %reshape3A_29 {strides = array<i32>} : memref<256x4096xf32, #tpu.memory_space<vmem>>, vector<256x4096xf32>,
    return
  }
}

module attributes {stable_mosaic.version = 14 : i64} {
  func.func @_finish_body(%arg0: memref<32x4096xf32, #tpu.memory_space<vmem>>, %arg1: memref<5x4096xf32, #tpu.memory_space<vmem>>, %arg2: memref<32x5xf32, #tpu.memory_space<vmem>>) attributes {dimension_semantics = [], scalar_prefetch = 0 : i64, scratch_operands = 0 : i64, tpu.core_type = #tpu.core_type<tc>} {
    %get3A = arith.constant 0 : index
    %get3A_0 = arith.constant 0 : index
    %get3A_1 = vector.load %arg0[%get3A, %get3A_0] : memref<32x4096xf32, #tpu.memory_space<vmem>>, vector<32x4096xf32>
    %get3A_2 = arith.constant 0 : index
    %get3A_3 = arith.constant 0 : index
    %get3A_4 = vector.load %arg1[%get3A_2, %get3A_3] : memref<5x4096xf32, #tpu.memory_space<vmem>>, vector<5x4096xf32>
    %mul3A = arith.mulf %get3A_1, %get3A_1 : vector<32x4096xf32>
    %reduce_sum3A = arith.constant dense<0.000000e+00> : vector<32xf32>
    %reduce_sum3A_5 = vector.multi_reduction <add>, %mul3A, %reduce_sum3A [1] : vector<32x4096xf32> to vector<32xf32>
    %broadcast_in_dim3A = vector.shape_cast %reduce_sum3A_5 : vector<32xf32> to vector<32x1xf32>
    %sqrt3A = math.sqrt %broadcast_in_dim3A : vector<32x1xf32>
    %add3A = arith.constant 9.99999996E-13 : f32
    %add3A_6 = vector.broadcast %add3A : f32 to vector<32x1xf32>
    %add3A_7 = arith.addf %sqrt3A, %add3A_6 : vector<32x1xf32>
    %div3A = vector.broadcast %add3A_7 : vector<32x1xf32> to vector<32x4096xf32>
    %div3A_8 = arith.divf %get3A_1, %div3A : vector<32x4096xf32>
    %mul3A_9 = arith.mulf %get3A_4, %get3A_4 : vector<5x4096xf32>
    %reduce_sum3A_10 = arith.constant dense<0.000000e+00> : vector<5xf32>
    %reduce_sum3A_11 = vector.multi_reduction <add>, %mul3A_9, %reduce_sum3A_10 [1] : vector<5x4096xf32> to vector<5xf32>
    %broadcast_in_dim3A_12 = vector.shape_cast %reduce_sum3A_11 : vector<5xf32> to vector<5x1xf32>
    %sqrt3A_13 = math.sqrt %broadcast_in_dim3A_12 : vector<5x1xf32>
    %add3A_14 = arith.constant 9.99999996E-13 : f32
    %add3A_15 = vector.broadcast %add3A_14 : f32 to vector<5x1xf32>
    %add3A_16 = arith.addf %sqrt3A_13, %add3A_15 : vector<5x1xf32>
    %div3A_17 = vector.broadcast %add3A_16 : vector<5x1xf32> to vector<5x4096xf32>
    %div3A_18 = arith.divf %get3A_4, %div3A_17 : vector<5x4096xf32>
    %dot_general3A = arith.constant dense<0.000000e+00> : vector<32x5xf32>
    %dot_general3A_19 = tpu.matmul %div3A_8, %div3A_18, %dot_general3A {dimension_numbers = #tpu.dot_dimension_numbers<[1], [1], [0], [0], [0, 0, 1, 0], [], []>, transpose_lhs_hint = false} : vector<32x4096xf32>, vector<5x4096xf32>, vector<32x5xf32> -> vector<32x5xf32>
    %swap3A = arith.constant 0 : index
    %swap3A_20 = arith.constant 0 : index
    %swap3A_21 = vector.load %arg2[%swap3A, %swap3A_20] : memref<32x5xf32, #tpu.memory_space<vmem>>, vector<32x5xf32>
    tpu.vector_store %arg2[%swap3A, %swap3A_20], %dot_general3A_19 {strides = array<i32>} : memref<32x5xf32, #tpu.memory_space<vmem>>, vector<32x5xf32>,
    return
  }
}

</mosaic_0001>

<sc_bundles>
// kernel: kernel.5.cloned.1.call-start
scs
__scs_entry_jumppad:
0x0: {  	(pc) =	sbr.rel $0x88, $3  }
0x1: {  	(tag) =	ssettag $0x0;
	lr =	simm.s32 $0x1  }
0x2: {  	[smem:$0x3F9D] =	sst lr;
	_ =	strace $0xD0000000  }
0x3: {  	_ = 	snop  }
0x4: {  	_ = 	snop  }
0x5: {  	_ = 	snop  }
0x6: {  	_ = 	snop  }
0x7: {  	_ = 	snop  }
__scs_overlays_trampoline_lowered:
0x8: {  	[smem:$0x3FAC] =	sst s0  }
0x9: {  	[smem:$0x3FAD] =	sst s1  }
0xa: {  	[smem:$0x3FAE] =	sst s2  }
0xb: {  	[smem:$0x3FAF] =	sst s3  }
0xc: {  	[smem:$0x3FB0] =	sst s4  }
0xd: {  	[smem:$0x3FB1] =	sst s5  }
0xe: {  	[smem:$0x3FB2] =	sst s6  }
0xf: {  	[smem:$0x3FB3] =	sst s7  }
0x10: {  	[smem:$0x3FB4] =	sst s8  }
0x11: {  	[smem:$0x3FB5] =	sst s9;
	s0 =	simm.s32 @!p0 $0x0  }
0x12: {  	s1 =	sld [smem:$0x3F9B];
	s0 =	simm.s32 @p0 $0x1  }
0x13: {  	[smem:$0x3FB6] =	sst s0;
	s0 =	simm.s32 @!p1 $0x0  }
0x14: {  	s2 =	sld [smem:$0x3F9A];
	s0 =	simm.s32 @p1 $0x1  }
0x15: {  	[smem:$0x3FB7] =	sst s0;
	s0 =	simm.s32 @!p2 $0x0  }
0x16: {  	s3 =	sld [smem:$0x3FDB];
	s0 =	simm.s32 @p2 $0x1  }
0x17: {  	s4 =	simm.s32 $0x1BF5;
	[smem:$0x3FB9] =	sst s0  }
0x18: {  	s0 =	sld [smem:$0x3F9C];
	_ =	swait.ge [sflag:s4], $0x0  }
0x19: {  	s7 =	sld [smem:$0x3F9D]  }
0x1a: {  	s8 =	sadd.s32 $0xFFFFE003, lr  }
0x1b: {  	s9 =	sadd.s32 $0xFFFFFEF7, lr;
	s5 =	simm.s32 $0xFFFFFFFF;
	p2 =	slt.u32 s8, $0xFFFFF086  }
0x1c: {  	p1 =	slt.u32 s9, $0xF7A;
	s5 =	simm.s32 @!p2 $0x0  }
0x1d: {  	s5 =	simm.s32 @p1 $0x1;
	p0 =	seq.s32 s7, s2  }
0x1e: {  	s7 =	smul.u32 @!p0 $0xF7A, s2;
	p2 =	seq.s32 @!p0 s5, $0x0  }
0x1f: {  	s9 =	smul.u32 $0xF7A, s1;
	s8 =	simm.s32 @!p0 $0x1BF5;
	p2 =	por !p2, p0  }
0x20: {  	[sflag:s8] =	ssyncset.s32 @!p0 $0xFFFFF086;
	s6 =	sadd.s32 @!p0 s3, s7;
	s7 =	simm.s32 @!p0 $0x108  }
0x21: {  	s3 =	sadd.s32 s3, s9;
	s6 =	sadd.s32 @!p0 $0x88, s6;
	s7 =	simm.s32 @p2 $0x1082  }
0x22: {  	[simem:s7], [sflag:s8] =	dma.local @!p0 [hbm:s6], $0xF7A  }
0x23: {  	s9 =	sor.u32 $0xD0000000, s2;
	s6 =	simm.s32 $0x108;
	_ =	swait.ge @!p0 [sflag:s8], $0x0  }
0x24: {  	s3 =	sadd.s32 $0x88, s3;
	s6 =	simm.s32 @!p1 $0x1082;
	[sflag:s4] =	ssyncset.s32 $0xFFFFF086  }
0x25: {  	[simem:s6], [sflag:s4] =	dma.local [hbm:s3], $0xF7A  }
0x26: {  	[smem:$0x3F9D] =	sst s1;
	(tag) =	ssettag s2;
	_ =	strace s9  }
0x27: {  	s1 =	sld [smem:$0x3FAD]  }
0x28: {  	s2 =	sld [smem:$0x3FAE]  }
0x29: {  	s4 =	sld [smem:$0x3FB0]  }
0x2a: {  	p0 =	seq.s32 s5, $0x0;
	s5 =	sld [smem:$0x3FB1]  }
0x2b: {  	s6 =	sld [smem:$0x3FB2]  }
0x2c: {  	s7 =	sld [smem:$0x3FB3]  }
0x2d: {  	s3 =	simm.s32 $0x108;
	s8 =	sld [smem:$0x3FB4]  }
0x2e: {  	s3 =	simm.s32 @!p0 $0x1082;
	s9 =	sld [smem:$0x3FB5]  }
0x2f: {  	lr =	sadd.s32 s0, s3;
	s0 =	sld [smem:$0x3FAC]  }
0x30: {  	s3 =	sld [smem:$0x3FAF]  }
0x31: {  	[smem:$0x3FB8] =	sst s10  }
0x32: {  	s10 =	sld [smem:$0x3FB6];
	_ =	sdelay $0x3  }
0x33: {  	p0 =	seq.s32 s10, $0x1;
	s10 =	sld [smem:$0x3FB8];
	_ =	sdelay $0x3  }
0x34: {  	[smem:$0x3FB8] =	sst s10  }
0x35: {  	s10 =	sld [smem:$0x3FB7];
	_ =	sdelay $0x3  }
0x36: {  	p1 =	seq.s32 s10, $0x1;
	s10 =	sld [smem:$0x3FB8];
	_ =	sdelay $0x3  }
0x37: {  	[smem:$0x3FB8] =	sst s10  }
0x38: {  	s10 =	sld [smem:$0x3FB9]  }
0x39: {  	_ = 	snop;
	(pc) =	sbr.ind lr, $3  }
0x3a: {  	_ = 	snop  }
0x3b: {  	_ = 	snop  }
0x3c: {  	p2 =	seq.s32 s10, $0x1;
	s10 =	sld [smem:$0x3FB8]  }
0x3d: {  	_ =	shalt  }
0x3e: {  	_ =	shalt  }
0x3f: {  	_ =	shalt  }
0x40: {  	_ =	shalt  }
0x41: {  	_ =	shalt  }
0x42: {  	_ =	shalt  }
0x43: {  	_ =	shalt  }
0x44: {  	_ =	shalt  }
0x45: {  	_ =	shalt  }
0x46: {  	_ =	shalt  }
0x47: {  	_ =	shalt  }
0x48: {  	_ =	shalt  }
0x49: {  	_ =	shalt  }
0x4a: {  	_ =	shalt  }
0x4b: {  	_ =	shalt  }
0x4c: {  	_ =	shalt  }
0x4d: {  	_ =	shalt  }
0x4e: {  	_ =	shalt  }
0x4f: {  	_ =	shalt  }
0x50: {  	_ =	shalt  }
0x51: {  	_ =	shalt  }
0x52: {  	_ =	shalt  }
0x53: {  	_ =	shalt  }
0x54: {  	_ =	shalt  }
0x55: {  	_ =	shalt  }
0x56: {  	_ =	shalt  }
0x57: {  	_ =	shalt  }
0x58: {  	_ =	shalt  }
0x59: {  	_ =	shalt  }
0x5a: {  	_ =	shalt  }
0x5b: {  	_ =	shalt  }
0x5c: {  	_ =	shalt  }
0x5d: {  	_ =	shalt  }
0x5e: {  	_ =	shalt  }
0x5f: {  	_ =	shalt  }
0x60: {  	_ =	shalt  }
0x61: {  	_ =	shalt  }
0x62: {  	_ =	shalt  }
0x63: {  	_ =	shalt  }
0x64: {  	_ =	shalt  }
0x65: {  	_ =	shalt  }
0x66: {  	_ =	shalt  }
0x67: {  	_ =	shalt  }
0x68: {  	_ =	shalt  }
0x69: {  	_ =	shalt  }
0x6a: {  	_ =	shalt  }
0x6b: {  	_ =	shalt  }
0x6c: {  	_ =	shalt  }
0x6d: {  	_ =	shalt  }
0x6e: {  	_ =	shalt  }
0x6f: {  	_ =	shalt  }
0x70: {  	_ =	shalt  }
0x71: {  	_ =	shalt  }
0x72: {  	_ =	shalt  }
0x73: {  	_ =	shalt  }
0x74: {  	_ =	shalt  }
0x75: {  	_ =	shalt  }
0x76: {  	_ =	shalt  }
0x77: {  	_ =	shalt  }
0x78: {  	_ =	shalt  }
0x79: {  	_ =	shalt  }
0x7a: {  	_ =	shalt  }
0x7b: {  	_ =	shalt  }
0x7c: {  	_ =	shalt  }
0x7d: {  	_ =	shalt  }
0x7e: {  	_ =	shalt  }
0x7f: {  	_ =	shalt  }
0x80: {  	_ =	shalt  }
0x81: {  	_ =	shalt  }
0x82: {  	_ =	shalt  }
0x83: {  	_ =	shalt  }
0x84: {  	_ =	shalt  }
0x85: {  	_ =	shalt  }
0x86: {  	_ =	shalt  }
0x87: {  	_ =	shalt  }
.Lfunc_end0:
.L_simem_size_0:
called_computation_lowered:
.L_overlay_start_0:
0x88: {  	s2 =	sld [smem:$0x3FD9]  }
0x89: {  	s3 =	sld [smem:$0x3FFE];
	_ =	sdelay $0x1  }
0x8a: {  	s1 =	srdreg.scid  }
0x8b: {  	s0 =	sand.u32 $0x1, s1  }
0x8c: {  	s16 =	sshll.u32 s0, $0xA;
	s2 =	sadd.s32 s3, s2  }
0x8d: {  	s2 =	sadd.s32 s2, s16  }
0x8e: {  	[smem:$0x3FC4] =	sst s2  }
0x8f: {  	_ = 	snop  }
0x90: {  	(tm) =	ssettm $0x1  }
0x91: {  	s17 =	sld [smem:$0x3FFB];
	_ =	sdelay $0x3  }
0x92: {  	_ =	strace s17  }
0x93: {  	s2 =	sld [smem:$0x3FFC];
	_ =	sdelay $0x3  }
0x94: {  	_ =	strace s2  }
0x95: {  	s2 =	sld [smem:$0x3FFD];
	_ =	sdelay $0x3  }
0x96: {  	_ =	strace s2  }
0x97: {  	_ =	strace $0x8FFFFFFF  }
0x98: {  	s18 =	sld [smem:$0x3FDB];
	_ =	sdelay $0x1  }
0x99: {  	s19 =	simm.s32 $_scs_section_size  }
0x9a: {  	s4 =	simm.s32 $_size__tile_overlayer_lowered;
	s5 =	simm.s32 $_tile_overlayer_lowered  }
0x9b: {  	s22 =	simm.s32 $0x1BFF;
	s21 =	sshll.u32 s5, $0x1;
	s2 =	sadd.s32 s19, s18  }
0x9c: {  	s6 =	simm.s32 $0x0;
	s20 =	sshll.u32 s4, $0x1;
	s4 =	sadd.s32 s21, s2  }
0x9d: {  	[timem:s6], [sflag:s22] =	dma.local [hbm:s4], s20  }
0x9e: {  	_ =	swait.ge [sflag:s22], s20  }
0x9f: {  	s3 =	ssub.s32 $0x0, s20;
	[sflag:s22] =	ssyncset.done $0x0  }
0xa0: {  	[sflag:s22] =	ssyncadd.s32 s3;
	_ =	sdelay $0x1  }
0xa1: {  	s23 =	simm.s32 $0x1B8B  }
0xa2: {  	_ =	swait.ge [sflag:s23], $0x1  }
0xa3: {  	[sflag:s23] =	ssyncset.done $0x0  }
0xa4: {  	s25 =	simm.s32 $0x1B8E;
	s24 =	sld [smem:$0x3FFE];
	[sflag:s23] =	ssyncadd.s32 $0xFFFFFFFF  }
0xa5: {  	s26 =	simm.s32 $execute0_lowered;
	[smem:$0x3FD2] =	sst s25  }
0xa6: {  	s4 =	sshll.u32 s26, $0x1;
	_ =	strace $0x80000046;
	[dreg:$0x1] =	wrdreg $0xFFFFFFFF  }
0xa7: {  	s28 =	simm.s32 $_size_execute0_lowered;
	s2 =	sadd.s32 s2, s4;
	[dreg:$0x0] =	wrdreg $0x0  }
0xa8: {  	s4 =	sshll.u32 s28, $0x1;
	[dreg:$0x2] =	wrdreg s2  }
0xa9: {  	[dreg:$0x3] =	wrdreg s4  }
0xaa: {  	[dreg:$0x4] =	wrdreg $0xC0  }
0xab: {  	_ =	task [dreg:s6], $0x5FFFF  }
0xac: {  	[dreg:$0x1] =	wrdreg $0xFFFFFFFF  }
0xad: {  	[dreg:$0x0] =	wrdreg $0x60  }
0xae: {  	[dreg:$0x2] =	wrdreg s24  }
0xaf: {  	[dreg:$0x3] =	wrdreg $0x9  }
0xb0: {  	_ =	task.clear_ibuf [dreg:s6], $0x4FFFF;
	_ =	strace $0x90000046  }
0xb1: {  	s29 =	simm.s32 $0x9;
	_ =	strace $0x80000048  }
0xb2: {  	_ =	swait.ge [sflag:s29], $0x1  }
0xb3: {  	[sflag:s29] =	ssyncadd.s32 $0xFFFFFFFF  }
0xb4: {  	_ =	strace $0x90000048  }
0xb5: {  	_ =	sfence  }
0xb6: {  	s30 =	sld [smem:$0x0];
	_ =	sdelay $0x2  }
0xb7: {  	s31 =	sshll.u32 s1, $0xD;
	s1 =	sshrl.u32 s1, $0x2  }
0xb8: {  	s3 =	sand.u32 $0x4000, s31;
	s1 =	sadd.s32 s1, s30  }
0xb9: {  	s0 =	sor.u32 s3, s0;
	s1 =	sshll.u32 s1, $0x11  }
0xba: {  	s0 =	sor.u32 s1, s0  }
0xbb: {  	s0 =	sadd.s32 $0x8F2B, s0  }
0xbc: {  	[sflag:s0] =	ssyncadd.remote.s32 $0x1  }
0xbd: {  	_ =	sfence.sel $0xFFFF  }
0xbe: {  	[dreg:$0x0] =	wrdreg $0xFFFFFFFF;
	(pc) =	sbr.abs _section_cstart, $3  }
0xbf: {  	[dreg:$0x1] =	wrdreg $0xFFFFFFFF  }
0xc0: {  	_ =	task.clear_ibuf [dreg:s6], $0x2FFFF;
	_ =	strace $0x9FFFFFFF  }
0xc1: {  	(tm) =	ssettm $0x7FFFFFFF  }
tec
execute0_lowered:
.L_overlay_start_1:
0x0: {  	(tag) =	ssettag $0x1  }
0x1: {  	s0 =	srdreg.scid  }
0x2: {  	s1 =	stileid.u32;
	s2 =	rddreg [dreg:$0x0]  }
0x3: {  	s5 =	simm.s32 $0x0;
	s0 =	sand.u32 $0x1, s0;
	s1 =	sshll.u32 s1, $0x1  }
0x4: {  	[smem:$0x7FF] =	sst s5;
	s4 =	sadd.s32 $0xC00, s2;
	s1 =	sor.u32 s0, s1  }
0x5: {  	s0 =	ssub.s32 $0x2, s0;
	s3 =	smul.u32 $0x1200, s1;
	s1 =	sshll.u32 s1, $0x9  }
0x6: {  	_ =	strace $0x80000047;
	s30 =	sshrl.u32 s0, $0x1;
	s1 =	sadd.s32 s1, s2  }
0x7: {  	[dreg:$0x15] =	wrdreg s4;
	s0 =	ssub.s32 s0, s30;
	s1 =	sadd.s32 $0x25400, s1  }
0x8: {  	s3 =	sadd.s32 s3, s2;
	s0 =	smax.u32 s0, $0x1;
	[dreg:$0x17] =	wrdreg s1  }
0x9: {  	s31 =	sadd.s32 $0x1400, s3;
	[dreg:$0x18] =	wrdreg s0  }
0xa: {  	s2 =	simm.s32 $0x0;
	s1 =	simm.s32 $0x1;
	[dreg:$0x16] =	wrdreg s31  }
.LBB2_1:
0xb: {  	[dreg:$0x19] =	wrdreg s2  }
0xc: {  	s0 =	rddreg [dreg:$0x16]  }
0xd: {  	[tilespmem:s5], [sflag:$0x1] =	stream.linear.gather [hbm4b:s0+s5], $0x9000, $0x38;
	[tilespmem:$0x12800] =	vst v63  }
0xe: {  	_ =	swait.ge [sflag:s1], $0x9000  }
0xf: {  	[sflag:s1] =	ssyncset.done $0x0  }
0x10: {  	s30 =	simm.s32 $0x9000;
	s29 =	rddreg [dreg:$0x15];
	[sflag:s1] =	ssyncadd.s32 $0xFFFF7000  }
0x11: {  	[tilespmem:s30], [sflag:$0x1] =	stream.linear.gather [hbm4b:s29+s5], $0x4000, $0x38;
	[tilespmem:$0x12800] =	vst v63  }
0x12: {  	_ =	swait.ge [sflag:s1], $0x4000  }
0x13: {  	[sflag:s1] =	ssyncset.done $0x0  }
0x14: {  	s31 =	simm.s32 $0x9010;
	[sflag:s1] =	ssyncadd.s32 $0xFFFFC000;
	s1 =	simm.s32 $0x0  }
.LBB2_2:
0x15: {  	[dreg:$0x1b] =	wrdreg s1  }
0x16: {  	v0 =	vld [tilespmem:s31+$0xC];
	_ =	sdelay $0x4  }
0x17: {  	v1 =	vld [tilespmem:s31+$0xFFFFFFF4];
	v0 =	vmul.u32 $0x240, v0;
	_ =	sdelay $0x1  }
0x18: {  	v0 =	vshra.s32 v0, $0x2  }
0x19: {  	v2 =	vld [tilespmem:s31+$0xFFFFFFF0];
	(v2sf) =	vpush v0, $0x0  }
0x1a: {  	(v2sf) =	vpush v0, $0x1  }
0x1b: {  	v1 =	vmul.u32 $0x240, v1;
	(v2sf) =	vpush v0, $0x2  }
0x1c: {  	(v2sf) =	vpush v0, $0x3  }
0x1d: {  	v0 =	vshra.s32 v1, $0x2  }
0x1e: {  	v1 =	vmul.u32 $0x240, v2;
	(v2sf) =	vpush v0, $0x0  }
0x1f: {  	(v2sf) =	vpush v0, $0x1  }
0x20: {  	v1 =	vshra.s32 v1, $0x2;
	(v2sf) =	vpush v0, $0x2  }
0x21: {  	(v2sf) =	vpush v1, $0x0  }
0x22: {  	(v2sf) =	vpush v1, $0x1  }
0x23: {  	(v2sf) =	vpush v1, $0x2  }
0x24: {  	(v2sf) =	vpush v1, $0x3;
	_ =	sdelay $0x3  }
0x25: {  	s16 =	spop (v2sf)  }
0x26: {  	v1 =	vld [tilespmem:s16+$0x0];
	s15 =	spop (v2sf)  }
0x27: {  	v2 =	vld [tilespmem:s15+$0x0];
	s14 =	spop (v2sf)  }
0x28: {  	v3 =	vld [tilespmem:s14+$0x0];
	s0 =	spop (v2sf)  }
0x29: {  	v4 =	vld [tilespmem:s0+$0x0]  }
0x2a: {  	s3 =	spop (v2sf)  }
0x2b: {  	s2 =	spop (v2sf)  }
0x2c: {  	s4 =	spop (v2sf)  }
0x2d: {  	[dreg:$0x1d] =	wrdreg s4;
	s12 =	spop (v2sf)  }
0x2e: {  	v1 =	vadd.f32 v2, v1;
	v5 =	vld [tilespmem:s12+$0x0];
	s9 =	spop (v2sf);
	v2 =	vadd.f32 v4, v3  }
0x2f: {  	v3 =	vld [tilespmem:s9+$0x0];
	s10 =	spop (v2sf)  }
0x30: {  	v4 =	vld [tilespmem:s10+$0x0];
	s17 =	spop (v2sf);
	v1 =	vadd.f32 v2, v1  }
0x31: {  	s13 =	simm.s32 $0xD240;
	v2 =	vld [tilespmem:s17+$0x0]  }
0x32: {  	[tilespmem:s13+$0x1B0] =	vst v1  }
0x33: {  	v1 =	vld [tilespmem:s16+$0x10]  }
0x34: {  	v6 =	vld [tilespmem:s15+$0x10]  }
0x35: {  	v7 =	vld [tilespmem:s14+$0x10]  }
0x36: {  	v3 =	vadd.f32 v3, v5;
	v2 =	vadd.f32 v2, v4;
	v4 =	vld [tilespmem:s0+$0x10];
	_ =	sdelay $0x1  }
0x37: {  	v2 =	vadd.f32 v2, v3;
	_ =	sdelay $0x1  }
0x38: {  	[tilespmem:s13+$0xFFFFFDC0] =	vst v2  }
0x39: {  	v1 =	vadd.f32 v6, v1;
	v2 =	vadd.f32 v4, v7;
	v3 =	vld [tilespmem:s12+$0x10]  }
0x3a: {  	v4 =	vld [tilespmem:s9+$0x10]  }
0x3b: {  	v5 =	vld [tilespmem:s17+$0x10];
	v1 =	vadd.f32 v2, v1  }
0x3c: {  	v2 =	vld [tilespmem:s10+$0x10]  }
0x3d: {  	[tilespmem:s13+$0x1C0] =	vst v1  }
0x3e: {  	v1 =	vld [tilespmem:s16+$0x20]  }
0x3f: {  	v6 =	vld [tilespmem:s15+$0x20]  }
0x40: {  	v7 =	vld [tilespmem:s14+$0x20]  }
0x41: {  	v8 =	vld [tilespmem:s0+$0x20];
	v3 =	vadd.f32 v4, v3;
	v2 =	vadd.f32 v5, v2;
	_ =	sdelay $0x1  }
0x42: {  	v2 =	vadd.f32 v2, v3;
	_ =	sdelay $0x1  }
0x43: {  	[tilespmem:s13+$0xFFFFFDD0] =	vst v2  }
0x44: {  	v1 =	vadd.f32 v6, v1;
	v2 =	vadd.f32 v8, v7;
	v3 =	vld [tilespmem:s12+$0x20]  }
0x45: {  	v4 =	vld [tilespmem:s9+$0x20]  }
0x46: {  	v5 =	vld [tilespmem:s17+$0x20];
	v1 =	vadd.f32 v2, v1  }
0x47: {  	v2 =	vld [tilespmem:s10+$0x20]  }
0x48: {  	[tilespmem:s13+$0x1D0] =	vst v1  }
0x49: {  	v1 =	vld [tilespmem:s16+$0x30]  }
0x4a: {  	v6 =	vld [tilespmem:s15+$0x30]  }
0x4b: {  	v7 =	vld [tilespmem:s14+$0x30]  }
0x4c: {  	v8 =	vld [tilespmem:s0+$0x30];
	v3 =	vadd.f32 v4, v3;
	v2 =	vadd.f32 v5, v2;
	_ =	sdelay $0x1  }
0x4d: {  	v2 =	vadd.f32 v2, v3;
	_ =	sdelay $0x1  }
0x4e: {  	v3 =	vld [tilespmem:s31+$0xFFFFFFF8];
	[tilespmem:s13+$0xFFFFFDE0] =	vst v2  }
0x4f: {  	v1 =	vadd.f32 v6, v1;
	v2 =	vadd.f32 v8, v7;
	v4 =	vld [tilespmem:s12+$0x30]  }
0x50: {  	v5 =	vld [tilespmem:s9+$0x30]  }
0x51: {  	v6 =	vld [tilespmem:s17+$0x30];
	v1 =	vadd.f32 v2, v1  }
0x52: {  	v2 =	vld [tilespmem:s10+$0x30]  }
0x53: {  	[tilespmem:s13+$0x1E0] =	vst v1  }
0x54: {  	v1 =	vld [tilespmem:s16+$0x40]  }
0x55: {  	v3 =	vmul.u32 $0x240, v3;
	v7 =	vld [tilespmem:s15+$0x40]  }
0x56: {  	(v2sf) =	vpush v0, $0x3;
	v0 =	vld [tilespmem:s14+$0x40]  }
0x57: {  	v3 =	vshra.s32 v3, $0x2;
	v8 =	vld [tilespmem:s0+$0x40];
	v4 =	vadd.f32 v5, v4;
	v2 =	vadd.f32 v6, v2  }
0x58: {  	v9 =	vld [tilespmem:s31+$0x8];
	(v2sf) =	vpush v3, $0x0  }
0x59: {  	v10 =	vld [tilespmem:s3+$0x0];
	v2 =	vadd.f32 v2, v4  }
0x5a: {  	v5 =	vld [tilespmem:s31+$0xFFFFFFFC]  }
0x5b: {  	v6 =	vld [tilespmem:s31+$0x0];
	(v2sf) =	vpush v3, $0x1;
	[tilespmem:s13+$0xFFFFFDF0] =	vst v2  }
0x5c: {  	v1 =	vadd.f32 v7, v1;
	v0 =	vadd.f32 v8, v0;
	v2 =	vld [tilespmem:s12+$0x40]  }
0x5d: {  	v7 =	vld [tilespmem:s9+$0x40]  }
0x5e: {  	v0 =	vadd.f32 v0, v1;
	v1 =	vld [tilespmem:s10+$0x40]  }
0x5f: {  	v8 =	vld [tilespmem:s17+$0x40]  }
0x60: {  	v4 =	vld [tilespmem:s31+$0x4];
	v5 =	vmul.u32 $0x240, v5;
	[tilespmem:s13+$0x1F0] =	vst v0  }
0x61: {  	(v2sf) =	vpush v3, $0x2;
	v0 =	vld [tilespmem:s16+$0x50]  }
0x62: {  	(v2sf) =	vpush v3, $0x3;
	v5 =	vshra.s32 v5, $0x2;
	v3 =	vld [tilespmem:s15+$0x50]  }
0x63: {  	(v2sf) =	vpush v5, $0x0;
	v11 =	vld [tilespmem:s14+$0x50]  }
0x64: {  	v12 =	vld [tilespmem:s0+$0x50];
	v2 =	vadd.f32 v7, v2;
	v1 =	vadd.f32 v8, v1  }
0x65: {  	(v2sf) =	vpush v5, $0x1;
	v7 =	vld [tilespmem:s2+$0x0]  }
0x66: {  	v8 =	vld [tilespmem:s4+$0x0];
	s4 =	spop (v2sf);
	v1 =	vadd.f32 v1, v2  }
0x67: {  	v2 =	vld [tilespmem:s4+$0x0];
	s5 =	spop (v2sf)  }
0x68: {  	[tilespmem:s13+$0xFFFFFE00] =	vst v1;
	v13 =	vld [tilespmem:s5+$0x0]  }
0x69: {  	v0 =	vadd.f32 v3, v0;
	v1 =	vadd.f32 v12, v11;
	v3 =	vld [tilespmem:s12+$0x50]  }
0x6a: {  	(v2sf) =	vpush v5, $0x2;
	v11 =	vld [tilespmem:s9+$0x50];
	s6 =	spop (v2sf)  }
0x6b: {  	v0 =	vadd.f32 v1, v0;
	v1 =	vld [tilespmem:s10+$0x50];
	[dreg:$0x1e] =	wrdreg s6  }
0x6c: {  	v6 =	vmul.u32 $0x240, v6;
	v62 =	vld [tilespmem:s17+$0x50]  }
0x6d: {  	v14 =	vld [tilespmem:s6+$0x0];
	[tilespmem:s13+$0x200] =	vst v0  }
0x6e: {  	(v2sf) =	vpush v5, $0x3;
	v0 =	vshra.s32 v6, $0x2;
	v5 =	vld [tilespmem:s16+$0x60]  }
0x6f: {  	(v2sf) =	vpush v0, $0x0;
	v6 =	vld [tilespmem:s15+$0x60]  }
0x70: {  	s8 =	spop (v2sf);
	v15 =	vld [tilespmem:s14+$0x60];
	(v2sf) =	vpush v0, $0x1  }
0x71: {  	s18 =	spop (v2sf);
	v16 =	vld [tilespmem:s0+$0x60];
	v3 =	vadd.f32 v11, v3;
	v1 =	vadd.f32 v62, v1  }
0x72: {  	v63 =	vld [tilespmem:s18+$0x0];
	(v2sf) =	vpush v0, $0x2  }
0x73: {  	v11 =	vld [tilespmem:s8+$0x0];
	s21 =	spop (v2sf);
	v1 =	vadd.f32 v1, v3  }
0x74: {  	s29 =	spop (v2sf);
	v17 =	vld [tilespmem:s21+$0x0]  }
0x75: {  	v18 =	vld [tilespmem:s29+$0x0];
	[tilespmem:s13+$0xFFFFFE10] =	vst v1  }
0x76: {  	v3 =	vadd.f32 v6, v5;
	v1 =	vmul.u32 $0x240, v4;
	v4 =	vadd.f32 v16, v15;
	v5 =	vld [tilespmem:s12+$0x60]  }
0x77: {  	(v2sf) =	vpush v0, $0x3;
	v0 =	vld [tilespmem:s9+$0x60]  }
0x78: {  	v6 =	vld [tilespmem:s17+$0x60];
	v3 =	vadd.f32 v4, v3  }
0x79: {  	s19 =	spop (v2sf);
	v1 =	vshra.s32 v1, $0x2;
	v4 =	vld [tilespmem:s10+$0x60];
	[dreg:$0x1c] =	wrdreg s17  }
0x7a: {  	(v2sf) =	vpush v1, $0x0;
	v28 =	vld [tilespmem:s19+$0x0];
	[tilespmem:s13+$0x210] =	vst v3  }
0x7b: {  	(v2sf) =	vpush v1, $0x1;
	v3 =	vld [tilespmem:s16+$0x70]  }
0x7c: {  	(v2sf) =	vpush v1, $0x2;
	v29 =	vld [tilespmem:s15+$0x70]  }
0x7d: {  	v19 =	vld [tilespmem:s0+$0x70];
	(v2sf) =	vpush v1, $0x3  }
0x7e: {  	v9 =	vmul.u32 $0x240, v9;
	s20 =	spop (v2sf);
	v1 =	vld [tilespmem:s14+$0x70];
	v0 =	vadd.f32 v0, v5;
	v4 =	vadd.f32 v6, v4  }
0x7f: {  	v20 =	vld [tilespmem:s20+$0x0];
	s11 =	spop (v2sf)  }
0x80: {  	v5 =	vshra.s32 v9, $0x2;
	s30 =	spop (v2sf);
	v9 =	vld [tilespmem:s11+$0x0];
	v0 =	vadd.f32 v4, v0  }
0x81: {  	(v2sf) =	vpush v5, $0x0;
	s26 =	spop (v2sf);
	v21 =	vld [tilespmem:s30+$0x0]  }
0x82: {  	(v2sf) =	vpush v5, $0x1;
	v22 =	vld [tilespmem:s26+$0x0];
	[tilespmem:s13+$0xFFFFFE20] =	vst v0  }
0x83: {  	v0 =	vadd.f32 v29, v3;
	v1 =	vadd.f32 v19, v1;
	v6 =	vld [tilespmem:s12+$0x70]  }
0x84: {  	(v2sf) =	vpush v5, $0x2;
	v30 =	vld [tilespmem:s9+$0x70]  }
0x85: {  	(v2sf) =	vpush v5, $0x3;
	v5 =	vld [tilespmem:s17+$0x70];
	v0 =	vadd.f32 v1, v0  }
0x86: {  	s24 =	spop (v2sf);
	v1 =	vld [tilespmem:s10+$0x70]  }
0x87: {  	v31 =	vld [tilespmem:s24+$0x0];
	[tilespmem:s13+$0x220] =	vst v0  }
0x88: {  	v3 =	vld [tilespmem:s16+$0x80]  }
0x89: {  	v4 =	vld [tilespmem:s15+$0x80]  }
0x8a: {  	v0 =	vadd.f32 v30, v6;
	v6 =	vld [tilespmem:s0+$0x80]  }
0x8b: {  	s25 =	spop (v2sf);
	v1 =	vadd.f32 v5, v1;
	v5 =	vld [tilespmem:s14+$0x80]  }
0x8c: {  	s1 =	spop (v2sf);
	v23 =	vld [tilespmem:s25+$0x0]  }
0x8d: {  	v24 =	vld [tilespmem:s1+$0x0];
	s23 =	spop (v2sf);
	v0 =	vadd.f32 v1, v0  }
0x8e: {  	s28 =	spop (v2sf);
	v32 =	vld [tilespmem:s23+$0x0]  }
0x8f: {  	v25 =	vld [tilespmem:s28+$0x0];
	[tilespmem:s13+$0xFFFFFE30] =	vst v0  }
0x90: {  	v1 =	vadd.f32 v7, v10;
	v7 =	vadd.f32 v2, v8;
	s15 =	spop (v2sf);
	v0 =	vld [tilespmem:s12+$0x80]  }
0x91: {  	v26 =	vld [tilespmem:s15+$0x0]  }
0x92: {  	v7 =	vadd.f32 v7, v1;
	v2 =	vld [tilespmem:s9+$0x80]  }
0x93: {  	s12 =	spop (v2sf);
	v1 =	vld [tilespmem:s10+$0x80]  }
0x94: {  	v11 =	vadd.f32 v63, v11;
	v8 =	vld [tilespmem:s12+$0x0];
	[tilespmem:s13+$0xFFFFFE50] =	vst v7;
	v7 =	vadd.f32 v14, v13  }
0x95: {  	v34 =	vld [tilespmem:s3+$0x10]  }
0x96: {  	s14 =	smov.u32 s20;
	s20 =	smov.u32 s26;
	s26 =	spop (v2sf);
	v36 =	vld [tilespmem:s4+$0x10];
	v7 =	vadd.f32 v11, v7  }
0x97: {  	v10 =	vld [tilespmem:s26+$0x0]  }
0x98: {  	v17 =	vadd.f32 v18, v17;
	s0 =	rddreg [dreg:$0x1d];
	v11 =	vld [tilespmem:s2+$0x10];
	[tilespmem:s13+$0xFFFFFEE0] =	vst v7;
	v7 =	vadd.f32 v20, v28  }
0x99: {  	s9 =	spop (v2sf);
	v35 =	vld [tilespmem:s0+$0x10]  }
0x9a: {  	v33 =	vld [tilespmem:s9+$0x0];
	v7 =	vadd.f32 v7, v17  }
0x9b: {  	v37 =	vld [tilespmem:s5+$0x10]  }
0x9c: {  	v9 =	vadd.f32 v21, v9;
	s7 =	rddreg [dreg:$0x1e];
	v39 =	vld [tilespmem:s8+$0x10];
	[tilespmem:s13+$0xFFFFFF70] =	vst v7;
	v7 =	vadd.f32 v31, v22  }
0x9d: {  	v40 =	vld [tilespmem:s18+$0x10]  }
0x9e: {  	v38 =	vld [tilespmem:s7+$0x10];
	v7 =	vadd.f32 v7, v9  }
0x9f: {  	v41 =	vld [tilespmem:s21+$0x10]  }
0xa0: {  	v23 =	vadd.f32 v24, v23;
	v42 =	vld [tilespmem:s19+$0x10];
	[tilespmem:s13+$0x0] =	vst v7;
	v7 =	vadd.f32 v25, v32  }
0xa1: {  	v43 =	vld [tilespmem:s14+$0x10]  }
0xa2: {  	v9 =	vld [tilespmem:s29+$0x10];
	v7 =	vadd.f32 v7, v23  }
0xa3: {  	v44 =	vld [tilespmem:s11+$0x10]  }
0xa4: {  	v8 =	vadd.f32 v8, v26;
	v45 =	vld [tilespmem:s30+$0x10];
	[tilespmem:s13+$0x90] =	vst v7;
	v7 =	vadd.f32 v33, v10  }
0xa5: {  	v46 =	vld [tilespmem:s20+$0x10]  }
0xa6: {  	v10 =	vld [tilespmem:s24+$0x10];
	v7 =	vadd.f32 v7, v8  }
0xa7: {  	v47 =	vld [tilespmem:s25+$0x10]  }
0xa8: {  	v48 =	vld [tilespmem:s23+$0x10];
	[tilespmem:s13+$0x120] =	vst v7;
	v7 =	vadd.f32 v11, v34;
	v11 =	vadd.f32 v36, v35  }
0xa9: {  	v49 =	vld [tilespmem:s28+$0x10]  }
0xaa: {  	v8 =	vld [tilespmem:s1+$0x10];
	v7 =	vadd.f32 v11, v7  }
0xab: {  	v50 =	vld [tilespmem:s15+$0x10]  }
0xac: {  	v52 =	vadd.f32 v40, v39;
	v51 =	vld [tilespmem:s26+$0x10];
	[tilespmem:s13+$0xFFFFFE60] =	vst v7;
	v7 =	vadd.f32 v38, v37  }
0xad: {  	v53 =	vld [tilespmem:s9+$0x10]  }
0xae: {  	v11 =	vld [tilespmem:s12+$0x10];
	v7 =	vadd.f32 v52, v7  }
0xaf: {  	v54 =	vld [tilespmem:s3+$0x20]  }
0xb0: {  	v9 =	vadd.f32 v9, v41;
	v55 =	vld [tilespmem:s2+$0x20];
	[tilespmem:s13+$0xFFFFFEF0] =	vst v7;
	v7 =	vadd.f32 v43, v42  }
0xb1: {  	v56 =	vld [tilespmem:s0+$0x20]  }
0xb2: {  	v57 =	vld [tilespmem:s4+$0x20];
	v7 =	vadd.f32 v7, v9  }
0xb3: {  	s22 =	smov.u32 s8;
	v58 =	vld [tilespmem:s5+$0x20]  }
0xb4: {  	s16 =	smov.u32 s18;
	v10 =	vadd.f32 v10, v46;
	v59 =	vld [tilespmem:s22+$0x20];
	[tilespmem:s13+$0xFFFFFF80] =	vst v7;
	v7 =	vadd.f32 v45, v44  }
0xb5: {  	v60 =	vld [tilespmem:s16+$0x20]  }
0xb6: {  	v9 =	vld [tilespmem:s7+$0x20];
	v7 =	vadd.f32 v10, v7  }
0xb7: {  	v61 =	vld [tilespmem:s21+$0x20]  }
0xb8: {  	v8 =	vadd.f32 v8, v47;
	v62 =	vld [tilespmem:s19+$0x20];
	[tilespmem:s13+$0x10] =	vst v7;
	v7 =	vadd.f32 v49, v48  }
0xb9: {  	v63 =	vld [tilespmem:s14+$0x20]  }
0xba: {  	v10 =	vld [tilespmem:s29+$0x20];
	v7 =	vadd.f32 v7, v8  }
0xbb: {  	v28 =	vld [tilespmem:s11+$0x20]  }
0xbc: {  	v11 =	vadd.f32 v11, v50;
	v29 =	vld [tilespmem:s20+$0x20];
	[tilespmem:s13+$0xA0] =	vst v7;
	v7 =	vadd.f32 v53, v51  }
0xbd: {  	v30 =	vld [tilespmem:s24+$0x20]  }
0xbe: {  	v8 =	vld [tilespmem:s30+$0x20];
	v7 =	vadd.f32 v7, v11  }
0xbf: {  	v31 =	vld [tilespmem:s25+$0x20]  }
0xc0: {  	v16 =	vadd.f32 v57, v56;
	v32 =	vld [tilespmem:s23+$0x20];
	[tilespmem:s13+$0x130] =	vst v7;
	v7 =	vadd.f32 v55, v54  }
0xc1: {  	v33 =	vld [tilespmem:s28+$0x20]  }
0xc2: {  	v11 =	vld [tilespmem:s1+$0x20];
	v7 =	vadd.f32 v16, v7  }
0xc3: {  	v34 =	vld [tilespmem:s15+$0x20]  }
0xc4: {  	v9 =	vadd.f32 v9, v58;
	v35 =	vld [tilespmem:s12+$0x20];
	[tilespmem:s13+$0xFFFFFE70] =	vst v7;
	v7 =	vadd.f32 v60, v59  }
0xc5: {  	v36 =	vld [tilespmem:s26+$0x20]  }
0xc6: {  	v37 =	vld [tilespmem:s9+$0x20];
	v7 =	vadd.f32 v7, v9  }
0xc7: {  	v38 =	vld [tilespmem:s3+$0x30]  }
0xc8: {  	v10 =	vadd.f32 v10, v61;
	v39 =	vld [tilespmem:s0+$0x30];
	[tilespmem:s13+$0xFFFFFF00] =	vst v7;
	v7 =	vadd.f32 v63, v62  }
0xc9: {  	v40 =	vld [tilespmem:s4+$0x30]  }
0xca: {  	s17 =	smov.u32 s5;
	v9 =	vld [tilespmem:s2+$0x30];
	v7 =	vadd.f32 v7, v10  }
0xcb: {  	v41 =	vld [tilespmem:s17+$0x30]  }
0xcc: {  	v42 =	vld [tilespmem:s22+$0x30];
	[tilespmem:s13+$0xFFFFFF90] =	vst v7;
	v7 =	vadd.f32 v8, v28;
	v8 =	vadd.f32 v30, v29  }
0xcd: {  	v43 =	vld [tilespmem:s16+$0x30]  }
0xce: {  	v10 =	vld [tilespmem:s7+$0x30];
	v7 =	vadd.f32 v8, v7  }
0xcf: {  	v44 =	vld [tilespmem:s21+$0x30]  }
0xd0: {  	v11 =	vadd.f32 v11, v31;
	v45 =	vld [tilespmem:s19+$0x30];
	[tilespmem:s13+$0x20] =	vst v7;
	v7 =	vadd.f32 v33, v32  }
0xd1: {  	v46 =	vld [tilespmem:s14+$0x30]  }
0xd2: {  	v8 =	vld [tilespmem:s29+$0x30];
	v7 =	vadd.f32 v7, v11  }
0xd3: {  	v47 =	vld [tilespmem:s11+$0x30]  }
0xd4: {  	v16 =	vadd.f32 v35, v34;
	v48 =	vld [tilespmem:s20+$0x30];
	[tilespmem:s13+$0xB0] =	vst v7;
	v7 =	vadd.f32 v37, v36  }
0xd5: {  	v49 =	vld [tilespmem:s24+$0x30]  }
0xd6: {  	v11 =	vld [tilespmem:s30+$0x30];
	v7 =	vadd.f32 v7, v16  }
0xd7: {  	v50 =	vld [tilespmem:s25+$0x30]  }
0xd8: {  	v51 =	vld [tilespmem:s1+$0x30];
	[tilespmem:s13+$0x140] =	vst v7;
	v7 =	vadd.f32 v9, v38;
	v9 =	vadd.f32 v40, v39  }
0xd9: {  	v52 =	vld [tilespmem:s23+$0x30]  }
0xda: {  	v53 =	vld [tilespmem:s28+$0x30];
	v7 =	vadd.f32 v9, v7  }
0xdb: {  	v54 =	vld [tilespmem:s15+$0x30]  }
0xdc: {  	v10 =	vadd.f32 v10, v41;
	v55 =	vld [tilespmem:s26+$0x30];
	[tilespmem:s13+$0xFFFFFE80] =	vst v7;
	v7 =	vadd.f32 v43, v42  }
0xdd: {  	v56 =	vld [tilespmem:s9+$0x30]  }
0xde: {  	v9 =	vld [tilespmem:s12+$0x30];
	v7 =	vadd.f32 v7, v10  }
0xdf: {  	v57 =	vld [tilespmem:s3+$0x40]  }
0xe0: {  	v8 =	vadd.f32 v8, v44;
	v58 =	vld [tilespmem:s0+$0x40];
	[tilespmem:s13+$0xFFFFFF10] =	vst v7;
	v7 =	vadd.f32 v46, v45  }
0xe1: {  	v59 =	vld [tilespmem:s4+$0x40]  }
0xe2: {  	v10 =	vld [tilespmem:s2+$0x40];
	v7 =	vadd.f32 v7, v8  }
0xe3: {  	v60 =	vld [tilespmem:s17+$0x40]  }
0xe4: {  	s18 =	smov.u32 s16;
	v11 =	vadd.f32 v11, v47;
	v61 =	vld [tilespmem:s22+$0x40];
	[tilespmem:s13+$0xFFFFFFA0] =	vst v7;
	v7 =	vadd.f32 v49, v48  }
0xe5: {  	v62 =	vld [tilespmem:s18+$0x40]  }
0xe6: {  	v8 =	vld [tilespmem:s7+$0x40];
	v7 =	vadd.f32 v7, v11  }
0xe7: {  	v63 =	vld [tilespmem:s21+$0x40]  }
0xe8: {  	v16 =	vadd.f32 v51, v50;
	v28 =	vld [tilespmem:s19+$0x40];
	[tilespmem:s13+$0x30] =	vst v7;
	v7 =	vadd.f32 v53, v52  }
0xe9: {  	v29 =	vld [tilespmem:s14+$0x40]  }
0xea: {  	v11 =	vld [tilespmem:s29+$0x40];
	v7 =	vadd.f32 v7, v16  }
0xeb: {  	v30 =	vld [tilespmem:s11+$0x40]  }
0xec: {  	v9 =	vadd.f32 v9, v54;
	v31 =	vld [tilespmem:s30+$0x40];
	[tilespmem:s13+$0xC0] =	vst v7;
	v7 =	vadd.f32 v56, v55  }
0xed: {  	v32 =	vld [tilespmem:s20+$0x40]  }
0xee: {  	v33 =	vld [tilespmem:s24+$0x40];
	v7 =	vadd.f32 v7, v9  }
0xef: {  	v34 =	vld [tilespmem:s25+$0x40]  }
0xf0: {  	v35 =	vld [tilespmem:s23+$0x40];
	[tilespmem:s13+$0x150] =	vst v7;
	v7 =	vadd.f32 v10, v57;
	v10 =	vadd.f32 v59, v58  }
0xf1: {  	v36 =	vld [tilespmem:s28+$0x40]  }
0xf2: {  	v9 =	vld [tilespmem:s1+$0x40];
	v7 =	vadd.f32 v10, v7  }
0xf3: {  	v37 =	vld [tilespmem:s15+$0x40]  }
0xf4: {  	v8 =	vadd.f32 v8, v60;
	v38 =	vld [tilespmem:s26+$0x40];
	[tilespmem:s13+$0xFFFFFE90] =	vst v7;
	v7 =	vadd.f32 v62, v61  }
0xf5: {  	v39 =	vld [tilespmem:s9+$0x40]  }
0xf6: {  	v10 =	vld [tilespmem:s12+$0x40];
	v7 =	vadd.f32 v7, v8  }
0xf7: {  	s8 =	smov.u32 s0;
	v40 =	vld [tilespmem:s3+$0x50]  }
0xf8: {  	v11 =	vadd.f32 v11, v63;
	v41 =	vld [tilespmem:s8+$0x50];
	[tilespmem:s13+$0xFFFFFF20] =	vst v7;
	v7 =	vadd.f32 v29, v28  }
0xf9: {  	v42 =	vld [tilespmem:s4+$0x50]  }
0xfa: {  	v8 =	vld [tilespmem:s2+$0x50];
	v7 =	vadd.f32 v7, v11  }
0xfb: {  	v43 =	vld [tilespmem:s17+$0x50]  }
0xfc: {  	v16 =	vadd.f32 v31, v30;
	v44 =	vld [tilespmem:s22+$0x50];
	[tilespmem:s13+$0xFFFFFFB0] =	vst v7;
	v7 =	vadd.f32 v33, v32  }
0xfd: {  	v45 =	vld [tilespmem:s18+$0x50]  }
0xfe: {  	v11 =	vld [tilespmem:s7+$0x50];
	v7 =	vadd.f32 v7, v16  }
0xff: {  	v46 =	vld [tilespmem:s21+$0x50]  }
0x100: {  	v9 =	vadd.f32 v9, v34;
	v47 =	vld [tilespmem:s29+$0x50];
	[tilespmem:s13+$0x40] =	vst v7;
	v7 =	vadd.f32 v36, v35  }
0x101: {  	v48 =	vld [tilespmem:s19+$0x50]  }
0x102: {  	v49 =	vld [tilespmem:s14+$0x50];
	v7 =	vadd.f32 v7, v9  }
0x103: {  	v50 =	vld [tilespmem:s11+$0x50]  }
0x104: {  	v10 =	vadd.f32 v10, v37;
	v51 =	vld [tilespmem:s20+$0x50];
	[tilespmem:s13+$0xD0] =	vst v7;
	v7 =	vadd.f32 v39, v38  }
0x105: {  	v52 =	vld [tilespmem:s24+$0x50]  }
0x106: {  	v9 =	vld [tilespmem:s30+$0x50];
	v7 =	vadd.f32 v7, v10  }
0x107: {  	v53 =	vld [tilespmem:s25+$0x50]  }
0x108: {  	v54 =	vld [tilespmem:s23+$0x50];
	[tilespmem:s13+$0x160] =	vst v7;
	v7 =	vadd.f32 v8, v40;
	v8 =	vadd.f32 v42, v41  }
0x109: {  	v55 =	vld [tilespmem:s28+$0x50]  }
0x10a: {  	v10 =	vld [tilespmem:s1+$0x50];
	v7 =	vadd.f32 v8, v7  }
0x10b: {  	v56 =	vld [tilespmem:s15+$0x50]  }
0x10c: {  	v11 =	vadd.f32 v11, v43;
	v57 =	vld [tilespmem:s26+$0x50];
	[tilespmem:s13+$0xFFFFFEA0] =	vst v7;
	v7 =	vadd.f32 v45, v44  }
0x10d: {  	v58 =	vld [tilespmem:s9+$0x50]  }
0x10e: {  	v8 =	vld [tilespmem:s12+$0x50];
	v7 =	vadd.f32 v7, v11  }
0x10f: {  	v59 =	vld [tilespmem:s3+$0x60]  }
0x110: {  	v16 =	vadd.f32 v47, v46;
	v60 =	vld [tilespmem:s8+$0x60];
	[tilespmem:s13+$0xFFFFFF30] =	vst v7;
	v7 =	vadd.f32 v49, v48  }
0x111: {  	v61 =	vld [tilespmem:s4+$0x60]  }
0x112: {  	v11 =	vld [tilespmem:s2+$0x60];
	v7 =	vadd.f32 v7, v16  }
0x113: {  	v62 =	vld [tilespmem:s17+$0x60]  }
0x114: {  	s6 =	smov.u32 s22;
	v28 =	vld [tilespmem:s22+$0x60];
	s22 =	smov.u32 s18;
	[tilespmem:s13+$0xFFFFFFC0] =	vst v7  }
0x115: {  	v63 =	vld [tilespmem:s7+$0x60];
	[dreg:$0x1f] =	wrdreg s22  }
0x116: {  	v9 =	vadd.f32 v9, v50;
	v7 =	vadd.f32 v52, v51;
	v29 =	vld [tilespmem:s18+$0x60]  }
0x117: {  	v30 =	vld [tilespmem:s21+$0x60]  }
0x118: {  	v7 =	vadd.f32 v7, v9;
	v9 =	vld [tilespmem:s29+$0x60]  }
0x119: {  	v31 =	vld [tilespmem:s19+$0x60]  }
0x11a: {  	v10 =	vadd.f32 v10, v53;
	v32 =	vld [tilespmem:s14+$0x60];
	[tilespmem:s13+$0x50] =	vst v7;
	v7 =	vadd.f32 v55, v54  }
0x11b: {  	v33 =	vld [tilespmem:s11+$0x60]  }
0x11c: {  	v34 =	vld [tilespmem:s20+$0x60];
	v7 =	vadd.f32 v7, v10  }
0x11d: {  	v35 =	vld [tilespmem:s24+$0x60]  }
0x11e: {  	v8 =	vadd.f32 v8, v56;
	v10 =	vld [tilespmem:s30+$0x60];
	[tilespmem:s13+$0xE0] =	vst v7;
	v7 =	vadd.f32 v58, v57  }
0x11f: {  	v36 =	vld [tilespmem:s25+$0x60]  }
0x120: {  	v37 =	vld [tilespmem:s23+$0x60];
	v7 =	vadd.f32 v7, v8  }
0x121: {  	v38 =	vld [tilespmem:s28+$0x60]  }
0x122: {  	v8 =	vld [tilespmem:s1+$0x60];
	[tilespmem:s13+$0x170] =	vst v7;
	v7 =	vadd.f32 v11, v59;
	v11 =	vadd.f32 v61, v60  }
0x123: {  	v39 =	vld [tilespmem:s15+$0x60]  }
0x124: {  	v40 =	vld [tilespmem:s26+$0x60];
	v7 =	vadd.f32 v11, v7  }
0x125: {  	v41 =	vld [tilespmem:s9+$0x60]  }
0x126: {  	v16 =	vadd.f32 v63, v62;
	v11 =	vld [tilespmem:s12+$0x60];
	[tilespmem:s13+$0xFFFFFEB0] =	vst v7;
	v7 =	vadd.f32 v29, v28  }
0x127: {  	v42 =	vld [tilespmem:s3+$0x70]  }
0x128: {  	v43 =	vld [tilespmem:s2+$0x70];
	v7 =	vadd.f32 v7, v16  }
0x129: {  	v44 =	vld [tilespmem:s8+$0x70]  }
0x12a: {  	s10 =	smov.u32 s17;
	v9 =	vadd.f32 v9, v30;
	v45 =	vld [tilespmem:s4+$0x70];
	[tilespmem:s13+$0xFFFFFF40] =	vst v7;
	v7 =	vadd.f32 v32, v31  }
0x12b: {  	v46 =	vld [tilespmem:s10+$0x70]  }
0x12c: {  	v47 =	vld [tilespmem:s6+$0x70];
	v7 =	vadd.f32 v7, v9  }
0x12d: {  	v48 =	vld [tilespmem:s22+$0x70]  }
0x12e: {  	v10 =	vadd.f32 v10, v33;
	v9 =	vld [tilespmem:s7+$0x70];
	[tilespmem:s13+$0xFFFFFFD0] =	vst v7;
	v7 =	vadd.f32 v35, v34  }
0x12f: {  	v49 =	vld [tilespmem:s21+$0x70]  }
0x130: {  	v50 =	vld [tilespmem:s19+$0x70];
	v7 =	vadd.f32 v7, v10  }
0x131: {  	v51 =	vld [tilespmem:s14+$0x70]  }
0x132: {  	v8 =	vadd.f32 v8, v36;
	v10 =	vld [tilespmem:s29+$0x70];
	[tilespmem:s13+$0x60] =	vst v7;
	v7 =	vadd.f32 v38, v37  }
0x133: {  	v52 =	vld [tilespmem:s11+$0x70];
	[dreg:$0x8] =	wrdreg s30  }
0x134: {  	v7 =	vadd.f32 v7, v8;
	v8 =	vld [tilespmem:s30+$0x70];
	[dreg:$0x7] =	wrdreg s20  }
0x135: {  	v53 =	vld [tilespmem:s20+$0x70]  }
0x136: {  	v11 =	vadd.f32 v11, v39;
	v54 =	vld [tilespmem:s24+$0x70];
	[tilespmem:s13+$0xF0] =	vst v7;
	v7 =	vadd.f32 v41, v40  }
0x137: {  	v55 =	vld [tilespmem:s25+$0x70]  }
0x138: {  	v3 =	vadd.f32 v4, v3;
	v56 =	vld [tilespmem:s23+$0x70];
	v7 =	vadd.f32 v7, v11  }
0x139: {  	v12 =	vadd.f32 v45, v44;
	v58 =	vadd.f32 v48, v47;
	v57 =	vld [tilespmem:s28+$0x70]  }
0x13a: {  	v9 =	vadd.f32 v9, v46;
	v11 =	vld [tilespmem:s1+$0x70];
	[tilespmem:s13+$0x180] =	vst v7;
	v7 =	vadd.f32 v43, v42  }
0x13b: {  	v14 =	vadd.f32 v51, v50;
	v10 =	vadd.f32 v10, v49;
	v4 =	vld [tilespmem:s15+$0x70]  }
0x13c: {  	v5 =	vadd.f32 v6, v5;
	v59 =	vld [tilespmem:s26+$0x70];
	v6 =	vadd.f32 v12, v7  }
0x13d: {  	v9 =	vadd.f32 v58, v9;
	v10 =	vadd.f32 v14, v10;
	v60 =	vld [tilespmem:s9+$0x70]  }
0x13e: {  	s5 =	smov.u32 s2;
	s2 =	smov.u32 s25;
	s25 =	rddreg [dreg:$0x1c];
	v7 =	vld [tilespmem:s12+$0x70];
	[tilespmem:s13+$0xFFFFFEC0] =	vst v6;
	v6 =	vadd.f32 v8, v52;
	v8 =	vadd.f32 v54, v53  }
0x13f: {  	v5 =	vadd.f32 v5, v3;
	[tilespmem:s13+$0xFFFFFF50] =	vst v9;
	v61 =	vld [tilespmem:s25+$0x80]  }
0x140: {  	[tilespmem:s13+$0xFFFFFFE0] =	vst v10;
	v10 =	vadd.f32 v2, v0;
	v2 =	vld [tilespmem:s7+$0x80];
	v6 =	vadd.f32 v8, v6  }
0x141: {  	v62 =	vld [tilespmem:s3+$0x80];
	v8 =	vadd.f32 v11, v55;
	v11 =	vadd.f32 v57, v56  }
0x142: {  	v63 =	vld [tilespmem:s5+$0x80];
	v9 =	vadd.f32 v60, v59  }
0x143: {  	[tilespmem:s13+$0x230] =	vst v5;
	v3 =	vld [tilespmem:s8+$0x80];
	v7 =	vadd.f32 v7, v4;
	v8 =	vadd.f32 v11, v8  }
0x144: {  	s16 =	smov.u32 s24;
	s0 =	smov.u32 s21;
	v5 =	vld [tilespmem:s4+$0x80];
	[tilespmem:s13+$0x70] =	vst v6  }
0x145: {  	s17 =	smov.u32 s14;
	s18 =	smov.u32 s29;
	s29 =	simm.s32 $0x0;
	v4 =	vld [tilespmem:s10+$0x80];
	v6 =	vadd.f32 v9, v7;
	[tilespmem:s13+$0x100] =	vst v8  }
0x146: {  	s22 =	smov.u32 s1;
	s14 =	smov.u32 s11;
	v7 =	vadd.f32 v61, v1;
	v1 =	vld [tilespmem:s6+$0x80];
	[dreg:$0x2] =	wrdreg s29  }
0x147: {  	s21 =	smov.u32 s23;
	s20 =	smov.u32 s28;
	s23 =	smov.u32 s15;
	[tilespmem:s13+$0x190] =	vst v6  }
0x148: {  	s28 =	smov.u32 s26;
	s1 =	sadd.s32 $0x20, s31;
	s30 =	rddreg [dreg:$0x1f]  }
0x149: {  	s15 =	smov.u32 s12;
	s26 =	smov.u32 s9;
	v0 =	vimm.f32 $0.0e+00;
	v6 =	vadd.f32 v7, v10;
	v7 =	vadd.f32 v63, v62;
	v8 =	vld [tilespmem:s30+$0x80];
	[dreg:$0x1a] =	wrdreg s31  }
.LBB2_3:
0x14a: {  	v9 =	vld [tilespmem:s1+$0xC]  }
0x14b: {  	v10 =	vld [tilespmem:s18+$0x80]  }
0x14c: {  	v11 =	vld [tilespmem:s19+$0x80]  }
0x14d: {  	v12 =	vld [tilespmem:s14+$0x80]  }
0x14e: {  	v3 =	vadd.f32 v5, v3;
	v5 =	vld [tilespmem:s1+$0xFFFFFFF4]  }
0x14f: {  	v14 =	vld [tilespmem:s16+$0x80];
	v2 =	vadd.f32 v2, v4;
	v1 =	vadd.f32 v8, v1;
	v8 =	vmul.u32 $0x240, v9  }
0x150: {  	v15 =	vld [tilespmem:s22+$0x80];
	[tilespmem:s13+$0xFFFFFE40] =	vst v6  }
0x151: {  	v1 =	vadd.f32 v1, v2;
	v2 =	vld [tilespmem:s1+$0xFFFFFFF0];
	v8 =	vshra.s32 v8, $0x2  }
0x152: {  	v61 =	vld [tilespmem:s21+$0x80];
	(v2sf) =	vpush v8, $0x0  }
0x153: {  	v6 =	vld [tilespmem:s1+$0xFFFFFFF8];
	v5 =	vmul.u32 $0x240, v5;
	(v2sf) =	vpush v8, $0x1  }
0x154: {  	[tilespmem:s13+$0xFFFFFF60] =	vst v1;
	v1 =	vld [tilespmem:s0+$0x80];
	(v2sf) =	vpush v8, $0x2  }
0x155: {  	v62 =	vld [tilespmem:s28+$0x80];
	v5 =	vshra.s32 v5, $0x2;
	(v2sf) =	vpush v8, $0x3  }
0x156: {  	s24 =	rddreg [dreg:$0x8];
	v8 =	vld [tilespmem:s17+$0x80];
	v2 =	vmul.u32 $0x240, v2;
	(v2sf) =	vpush v5, $0x0  }
0x157: {  	v13 =	vld [tilespmem:s24+$0x80];
	(v2sf) =	vpush v5, $0x1  }
0x158: {  	s25 =	rddreg [dreg:$0x7];
	v4 =	vld [tilespmem:s1+$0xFFFFFFFC];
	v2 =	vshra.s32 v2, $0x2;
	(v2sf) =	vpush v5, $0x2  }
0x159: {  	v1 =	vadd.f32 v10, v1;
	v10 =	vld [tilespmem:s25+$0x80];
	(v2sf) =	vpush v2, $0x0  }
0x15a: {  	v9 =	vld [tilespmem:s1+$0x8];
	v3 =	vadd.f32 v3, v7;
	(v2sf) =	vpush v2, $0x1  }
0x15b: {  	v7 =	vld [tilespmem:s1+$0x0];
	v6 =	vmul.u32 $0x240, v6;
	v8 =	vadd.f32 v8, v11;
	(v2sf) =	vpush v2, $0x2  }
0x15c: {  	[tilespmem:s13+$0xFFFFFED0] =	vst v3;
	v3 =	vld [tilespmem:s1+$0x4];
	(v2sf) =	vpush v2, $0x3  }
0x15d: {  	v6 =	vshra.s32 v6, $0x2;
	v11 =	vld [tilespmem:s2+$0x80];
	v1 =	vadd.f32 v8, v1;
	(v2sf) =	vpush v5, $0x3  }
0x15e: {  	v8 =	vadd.f32 v14, v10;
	v10 =	vld [tilespmem:s23+$0x80];
	(v2sf) =	vpush v6, $0x0  }
0x15f: {  	v4 =	vmul.u32 $0x240, v4;
	v5 =	vld [tilespmem:s20+$0x80];
	(v2sf) =	vpush v6, $0x1  }
0x160: {  	v2 =	vadd.f32 v13, v12;
	[tilespmem:s13+$0xFFFFFFF0] =	vst v1;
	v1 =	vld [tilespmem:s15+$0x80];
	(v2sf) =	vpush v6, $0x2  }
0x161: {  	v4 =	vshra.s32 v4, $0x2;
	(v2sf) =	vpush v6, $0x3;
	s31 =	spop (v2sf);
	v6 =	vld [tilespmem:s26+$0x80]  }
0x162: {  	v2 =	vadd.f32 v8, v2;
	v8 =	vld [tilespmem:s31+$0x0];
	(v2sf) =	vpush v4, $0x0;
	s14 =	spop (v2sf)  }
0x163: {  	v7 =	vmul.u32 $0x240, v7;
	v11 =	vadd.f32 v15, v11;
	v63 =	vld [tilespmem:s14+$0x0];
	(v2sf) =	vpush v4, $0x1;
	s15 =	spop (v2sf)  }
0x164: {  	[tilespmem:s13+$0x80] =	vst v2;
	v5 =	vadd.f32 v5, v61;
	v2 =	vld [tilespmem:s15+$0x0];
	(v2sf) =	vpush v4, $0x2;
	s16 =	spop (v2sf)  }
0x165: {  	v7 =	vshra.s32 v7, $0x2;
	v1 =	vadd.f32 v1, v10;
	v10 =	vld [tilespmem:s16+$0x0];
	s29 =	spop (v2sf);
	(v2sf) =	vpush v4, $0x3  }
0x166: {  	v4 =	vadd.f32 v5, v11;
	v5 =	vld [tilespmem:s29+$0x0];
	s30 =	spop (v2sf);
	(v2sf) =	vpush v7, $0x0  }
0x167: {  	[dreg:$0x3] =	wrdreg s1;
	v6 =	vadd.f32 v6, v62;
	v11 =	vld [tilespmem:s30+$0x0];
	s1 =	spop (v2sf);
	(v2sf) =	vpush v7, $0x1  }
0x168: {  	[tilespmem:s13+$0x110] =	vst v4;
	v4 =	vld [tilespmem:s1+$0x0];
	s2 =	spop (v2sf);
	(v2sf) =	vpush v7, $0x2  }
0x169: {  	v3 =	vmul.u32 $0x240, v3;
	v1 =	vadd.f32 v6, v1;
	v8 =	vadd.f32 v63, v8;
	v6 =	vld [tilespmem:s2+$0x0];
	s4 =	spop (v2sf)  }
0x16a: {  	(v2sf) =	vpush v7, $0x3;
	v7 =	vld [tilespmem:s4+$0x0];
	v2 =	vadd.f32 v10, v2;
	s9 =	spop (v2sf)  }
0x16b: {  	v3 =	vshra.s32 v3, $0x2;
	[tilespmem:s13+$0x1A0] =	vst v1;
	v1 =	vld [tilespmem:s9+$0x0];
	s8 =	spop (v2sf)  }
0x16c: {  	(v2sf) =	vpush v3, $0x0;
	v10 =	vld [tilespmem:s8+$0x0];
	v2 =	vadd.f32 v2, v8;
	s24 =	spop (v2sf)  }
0x16d: {  	s13 =	sadd.s32 $0x480, s13;
	(v2sf) =	vpush v3, $0x1;
	v8 =	vld [tilespmem:s24+$0x0];
	s25 =	spop (v2sf)  }
0x16e: {  	v5 =	vadd.f32 v11, v5;
	(v2sf) =	vpush v3, $0x2;
	v11 =	vld [tilespmem:s25+$0x0];
	[tilespmem:s13+$0x1B0] =	vst v2  }
0x16f: {  	s7 =	spop (v2sf);
	(v2sf) =	vpush v3, $0x3;
	v3 =	vld [tilespmem:s31+$0x10]  }
0x170: {  	v9 =	vmul.u32 $0x240, v9;
	v2 =	vadd.f32 v7, v6;
	v6 =	vld [tilespmem:s14+$0x10]  }
0x171: {  	v7 =	vld [tilespmem:s15+$0x10];
	v1 =	vadd.f32 v10, v1  }
0x172: {  	v9 =	vshra.s32 v9, $0x2;
	s3 =	spop (v2sf);
	v4 =	vadd.f32 v8, v4;
	v8 =	vld [tilespmem:s16+$0x10]  }
0x173: {  	(v2sf) =	vpush v9, $0x0;
	s12 =	spop (v2sf);
	v1 =	vadd.f32 v1, v2;
	v2 =	vld [tilespmem:s7+$0x0]  }
0x174: {  	[dreg:$0x5] =	wrdreg s30;
	(v2sf) =	vpush v9, $0x1;
	s30 =	spop (v2sf);
	v4 =	vadd.f32 v4, v5;
	v5 =	vld [tilespmem:s3+$0x0]  }
0x175: {  	[dreg:$0x9] =	wrdreg s25;
	(v2sf) =	vpush v9, $0x2;
	s25 =	spop (v2sf);
	[tilespmem:s13+$0xFFFFFDC0] =	vst v1;
	v1 =	vld [tilespmem:s12+$0x0]  }
0x176: {  	(v2sf) =	vpush v9, $0x3;
	s18 =	spop (v2sf);
	v9 =	vld [tilespmem:s25+$0x0]  }
0x177: {  	s17 =	spop (v2sf);
	v3 =	vadd.f32 v6, v3;
	[tilespmem:s13+$0xFFFFFE50] =	vst v4;
	v4 =	vld [tilespmem:s30+$0x0];
	v6 =	vadd.f32 v8, v7  }
0x178: {  	s6 =	spop (v2sf);
	v7 =	vld [tilespmem:s18+$0x0]  }
0x179: {  	s10 =	spop (v2sf);
	v8 =	vld [tilespmem:s17+$0x0];
	v3 =	vadd.f32 v6, v3  }
0x17a: {  	v2 =	vadd.f32 v2, v11;
	v6 =	vld [tilespmem:s10+$0x0];
	v1 =	vadd.f32 v1, v5  }
0x17b: {  	v5 =	vld [tilespmem:s6+$0x0];
	[tilespmem:s13+$0x1C0] =	vst v3  }
0x17c: {  	v1 =	vadd.f32 v1, v2;
	v3 =	vld [tilespmem:s31+$0x20]  }
0x17d: {  	v2 =	vadd.f32 v9, v4;
	v4 =	vld [tilespmem:s14+$0x20]  }
0x17e: {  	s21 =	spop (v2sf);
	[tilespmem:s13+$0xFFFFFEE0] =	vst v1;
	v1 =	vadd.f32 v8, v7;
	v7 =	vld [tilespmem:s15+$0x20]  }
0x17f: {  	s11 =	spop (v2sf);
	v8 =	vld [tilespmem:s16+$0x20]  }
0x180: {  	s22 =	spop (v2sf);
	v1 =	vadd.f32 v1, v2;
	v2 =	vadd.f32 v6, v5;
	v5 =	vld [tilespmem:s21+$0x0]  }
0x181: {  	s23 =	spop (v2sf);
	v6 =	vld [tilespmem:s11+$0x0]  }
0x182: {  	s5 =	spop (v2sf);
	v9 =	vld [tilespmem:s23+$0x0]  }
0x183: {  	s26 =	rddreg [dreg:$0x2];
	v10 =	vld [tilespmem:s5+$0x0]  }
0x184: {  	[dreg:$0x4] =	wrdreg s29;
	s29 =	spop (v2sf);
	v3 =	vadd.f32 v4, v3;
	[tilespmem:s13+$0xFFFFFF70] =	vst v1;
	v1 =	vld [tilespmem:s22+$0x0];
	v4 =	vadd.f32 v8, v7  }
0x185: {  	[dreg:$0xa] =	wrdreg s24;
	s24 =	spop (v2sf);
	v7 =	vld [tilespmem:s29+$0x0]  }
0x186: {  	s0 =	sadd.s32 $0x8, s26;
	s26 =	spop (v2sf);
	v5 =	vadd.f32 v6, v5;
	v6 =	vld [tilespmem:s24+$0x0];
	v3 =	vadd.f32 v4, v3  }
0x187: {  	s28 =	spop (v2sf);
	v4 =	vld [tilespmem:s26+$0x0]  }
0x188: {  	v2 =	vadd.f32 v5, v2;
	v5 =	vld [tilespmem:s28+$0x0];
	[tilespmem:s13+$0x1D0] =	vst v3  }
0x189: {  	v3 =	vld [tilespmem:s31+$0x30]  }
0x18a: {  	v1 =	vadd.f32 v9, v1;
	v8 =	vld [tilespmem:s15+$0x30];
	[tilespmem:s13+$0x0] =	vst v2;
	v2 =	vadd.f32 v7, v10  }
0x18b: {  	v7 =	vld [tilespmem:s14+$0x30]  }
0x18c: {  	[dreg:$0x2] =	wrdreg s0;
	s20 =	spop (v2sf);
	v1 =	vadd.f32 v2, v1;
	v2 =	vadd.f32 v4, v6;
	v4 =	vld [tilespmem:s16+$0x30]  }
0x18d: {  	[dreg:$0x6] =	wrdreg s1;
	v6 =	vld [tilespmem:s20+$0x0]  }
0x18e: {  	[dreg:$0x10] =	wrdreg s2;
	v11 =	vld [tilespmem:s8+$0x10]  }
0x18f: {  	[dreg:$0xf] =	wrdreg s9;
	v9 =	vld [tilespmem:s2+$0x10]  }
0x190: {  	[dreg:$0xb] =	wrdreg s3;
	v10 =	vld [tilespmem:s9+$0x10]  }
0x191: {  	s2 =	rddreg [dreg:$0x4];
	[tilespmem:s13+$0x90] =	vst v1;
	v1 =	vld [tilespmem:s4+$0x10];
	v3 =	vadd.f32 v7, v3;
	v4 =	vadd.f32 v4, v8  }
0x192: {  	s3 =	rddreg [dreg:$0x5];
	v7 =	vld [tilespmem:s2+$0x10];
	v5 =	vadd.f32 v6, v5  }
0x193: {  	s9 =	rddreg [dreg:$0x6];
	v6 =	vld [tilespmem:s3+$0x10];
	v3 =	vadd.f32 v4, v3  }
0x194: {  	p0 =	slt.u32 s0, $0x78;
	s0 =	smov.u32 s4;
	s4 =	rddreg [dreg:$0xa];
	v4 =	vld [tilespmem:s9+$0x10];
	v2 =	vadd.f32 v5, v2  }
0x195: {  	v5 =	vld [tilespmem:s4+$0x10];
	[tilespmem:s13+$0x1E0] =	vst v3  }
0x196: {  	v1 =	vadd.f32 v1, v9;
	v3 =	vadd.f32 v11, v10;
	[tilespmem:s13+$0x120] =	vst v2;
	v2 =	vld [tilespmem:s31+$0x40]  }
0x197: {  	v8 =	vld [tilespmem:s14+$0x40]  }
0x198: {  	v1 =	vadd.f32 v3, v1;
	v3 =	vadd.f32 v6, v7;
	v6 =	vld [tilespmem:s15+$0x40]  }
0x199: {  	s1 =	rddreg [dreg:$0x9];
	v7 =	vld [tilespmem:s16+$0x40]  }
0x19a: {  	[tilespmem:s13+$0xFFFFFDD0] =	vst v1;
	v1 =	vadd.f32 v5, v4;
	v4 =	vld [tilespmem:s1+$0x10]  }
0x19b: {  	v5 =	vld [tilespmem:s7+$0x10]  }
0x19c: {  	s19 =	rddreg [dreg:$0xb];
	v9 =	vld [tilespmem:s12+$0x10]  }
0x19d: {  	v1 =	vadd.f32 v1, v3;
	v3 =	vld [tilespmem:s19+$0x10]  }
0x19e: {  	v2 =	vadd.f32 v8, v2;
	v6 =	vadd.f32 v7, v6;
	v7 =	vld [tilespmem:s25+$0x10]  }
0x19f: {  	[tilespmem:s13+$0xFFFFFE60] =	vst v1;
	v1 =	vld [tilespmem:s30+$0x10]  }
0x1a0: {  	v4 =	vadd.f32 v5, v4;
	v5 =	vld [tilespmem:s18+$0x10];
	v2 =	vadd.f32 v6, v2  }
0x1a1: {  	v6 =	vld [tilespmem:s17+$0x10]  }
0x1a2: {  	v8 =	vld [tilespmem:s6+$0x10];
	v3 =	vadd.f32 v9, v3;
	[tilespmem:s13+$0x1F0] =	vst v2  }
0x1a3: {  	v2 =	vld [tilespmem:s31+$0x50]  }
0x1a4: {  	v3 =	vadd.f32 v3, v4;
	v4 =	vld [tilespmem:s14+$0x50]  }
0x1a5: {  	v1 =	vadd.f32 v7, v1;
	v7 =	vld [tilespmem:s15+$0x50]  }
0x1a6: {  	[tilespmem:s13+$0xFFFFFEF0] =	vst v3;
	v3 =	vadd.f32 v6, v5;
	v5 =	vld [tilespmem:s16+$0x50]  }
0x1a7: {  	v6 =	vld [tilespmem:s10+$0x10]  }
0x1a8: {  	v9 =	vld [tilespmem:s11+$0x10]  }
0x1a9: {  	v1 =	vadd.f32 v3, v1;
	v3 =	vld [tilespmem:s21+$0x10]  }
0x1aa: {  	[dreg:$0xd] =	wrdreg s5;
	v10 =	vld [tilespmem:s23+$0x10]  }
0x1ab: {  	s5 =	smov.u32 s26;
	s26 =	rddreg [dreg:$0xd];
	v2 =	vadd.f32 v4, v2;
	[tilespmem:s13+$0xFFFFFF80] =	vst v1;
	v1 =	vld [tilespmem:s22+$0x10];
	v4 =	vadd.f32 v5, v7  }
0x1ac: {  	[dreg:$0x11] =	wrdreg s30;
	v5 =	vadd.f32 v6, v8;
	v6 =	vld [tilespmem:s26+$0x10]  }
0x1ad: {  	[dreg:$0xe] =	wrdreg s24;
	v7 =	vld [tilespmem:s29+$0x10];
	v2 =	vadd.f32 v4, v2  }
0x1ae: {  	s30 =	rddreg [dreg:$0xe];
	v8 =	vld [tilespmem:s5+$0x10];
	v3 =	vadd.f32 v9, v3  }
0x1af: {  	v4 =	vld [tilespmem:s30+$0x10];
	[tilespmem:s13+$0x200] =	vst v2  }
0x1b0: {  	v2 =	vadd.f32 v3, v5;
	v3 =	vld [tilespmem:s31+$0x60]  }
0x1b1: {  	v5 =	vld [tilespmem:s14+$0x60]  }
0x1b2: {  	[dreg:$0xc] =	wrdreg s6;
	[tilespmem:s13+$0x10] =	vst v2;
	v2 =	vadd.f32 v7, v6;
	v6 =	vld [tilespmem:s15+$0x60]  }
0x1b3: {  	s6 =	smov.u32 s5;
	s5 =	rddreg [dreg:$0x10];
	v1 =	vadd.f32 v10, v1;
	v7 =	vld [tilespmem:s16+$0x60]  }
0x1b4: {  	v9 =	vld [tilespmem:s5+$0x20]  }
0x1b5: {  	v1 =	vadd.f32 v2, v1;
	v2 =	vadd.f32 v8, v4;
	v4 =	vld [tilespmem:s28+$0x10]  }
0x1b6: {  	s24 =	smov.u32 s11;
	s11 =	rddreg [dreg:$0xf];
	v8 =	vld [tilespmem:s20+$0x10]  }
0x1b7: {  	v10 =	vld [tilespmem:s11+$0x20]  }
0x1b8: {  	[tilespmem:s13+$0xA0] =	vst v1;
	v1 =	vld [tilespmem:s0+$0x20];
	v3 =	vadd.f32 v5, v3;
	v5 =	vadd.f32 v7, v6  }
0x1b9: {  	v6 =	vld [tilespmem:s8+$0x20]  }
0x1ba: {  	v7 =	vld [tilespmem:s2+$0x20];
	v3 =	vadd.f32 v5, v3  }
0x1bb: {  	v4 =	vadd.f32 v8, v4;
	v5 =	vld [tilespmem:s3+$0x20]  }
0x1bc: {  	v8 =	vld [tilespmem:s9+$0x20];
	[tilespmem:s13+$0x210] =	vst v3  }
0x1bd: {  	v2 =	vadd.f32 v4, v2;
	v3 =	vld [tilespmem:s31+$0x70]  }
0x1be: {  	v1 =	vadd.f32 v1, v9;
	v4 =	vadd.f32 v6, v10;
	v6 =	vld [tilespmem:s15+$0x70]  }
0x1bf: {  	[tilespmem:s13+$0x130] =	vst v2;
	v2 =	vld [tilespmem:s14+$0x70]  }
0x1c0: {  	v1 =	vadd.f32 v4, v1;
	v4 =	vadd.f32 v5, v7;
	v5 =	vld [tilespmem:s16+$0x70]  }
0x1c1: {  	v7 =	vld [tilespmem:s4+$0x20]  }
0x1c2: {  	v11 =	vld [tilespmem:s12+$0x20]  }
0x1c3: {  	v9 =	vld [tilespmem:s7+$0x20]  }
0x1c4: {  	[dreg:$0x14] =	wrdreg s0;
	v10 =	vld [tilespmem:s19+$0x20]  }
0x1c5: {  	s0 =	rddreg [dreg:$0x11];
	[tilespmem:s13+$0xFFFFFDE0] =	vst v1;
	v1 =	vld [tilespmem:s1+$0x20];
	v2 =	vadd.f32 v2, v3  }
0x1c6: {  	v3 =	vadd.f32 v5, v6;
	v5 =	vadd.f32 v7, v8;
	v6 =	vld [tilespmem:s0+$0x20]  }
0x1c7: {  	v7 =	vld [tilespmem:s25+$0x20]  }
0x1c8: {  	v2 =	vadd.f32 v3, v2;
	v3 =	vadd.f32 v5, v4;
	v4 =	vld [tilespmem:s18+$0x20]  }
0x1c9: {  	v5 =	vld [tilespmem:s17+$0x20]  }
0x1ca: {  	v1 =	vadd.f32 v9, v1;
	v9 =	vld [tilespmem:s24+$0x20];
	[tilespmem:s13+$0x220] =	vst v2  }
0x1cb: {  	[tilespmem:s13+$0xFFFFFE70] =	vst v3;
	v2 =	vadd.f32 v11, v10;
	v3 =	vld [tilespmem:s31+$0x80]  }
0x1cc: {  	[dreg:$0x8] =	wrdreg s10;
	v8 =	vld [tilespmem:s14+$0x80]  }
0x1cd: {  	[dreg:$0x13] =	wrdreg s23;
	v1 =	vadd.f32 v2, v1;
	v2 =	vadd.f32 v7, v6;
	v6 =	vld [tilespmem:s15+$0x80]  }
0x1ce: {  	s10 =	smov.u32 s28;
	s28 =	rddreg [dreg:$0xc];
	v7 =	vld [tilespmem:s16+$0x80]  }
0x1cf: {  	s23 =	rddreg [dreg:$0x8];
	[tilespmem:s13+$0xFFFFFF00] =	vst v1;
	v1 =	vadd.f32 v5, v4;
	v4 =	vld [tilespmem:s28+$0x20]  }
0x1d0: {  	v5 =	vld [tilespmem:s23+$0x20]  }
0x1d1: {  	[dreg:$0x12] =	wrdreg s22;
	v1 =	vadd.f32 v1, v2;
	v2 =	vld [tilespmem:s21+$0x20]  }
0x1d2: {  	s22 =	rddreg [dreg:$0x13];
	v3 =	vadd.f32 v8, v3;
	v8 =	vld [tilespmem:s30+$0x20]  }
0x1d3: {  	s15 =	rddreg [dreg:$0x12];
	v6 =	vadd.f32 v7, v6;
	v7 =	vld [tilespmem:s22+$0x20]  }
0x1d4: {  	[tilespmem:s13+$0xFFFFFF90] =	vst v1;
	v1 =	vld [tilespmem:s15+$0x20]  }
0x1d5: {  	v4 =	vadd.f32 v5, v4;
	v5 =	vld [tilespmem:s26+$0x20];
	v3 =	vadd.f32 v6, v3  }
0x1d6: {  	v6 =	vld [tilespmem:s29+$0x20]  }
0x1d7: {  	s14 =	smov.u32 s0;
	v2 =	vadd.f32 v9, v2;
	[tilespmem:s13+$0x230] =	vst v3;
	v3 =	vld [tilespmem:s6+$0x20]  }
0x1d8: {  	s0 =	smov.u32 s20;
	s20 =	smov.u32 s17;
	s17 =	smov.u32 s25;
	v9 =	vld [tilespmem:s5+$0x30]  }
0x1d9: {  	s25 =	smov.u32 s24;
	s24 =	smov.u32 s15;
	s15 =	smov.u32 s26;
	v2 =	vadd.f32 v2, v4;
	v4 =	vld [tilespmem:s10+$0x20]  }
0x1da: {  	s26 =	smov.u32 s30;
	s30 =	smov.u32 s6;
	s6 =	rddreg [dreg:$0x14];
	v1 =	vadd.f32 v7, v1;
	v7 =	vld [tilespmem:s0+$0x20]  }
0x1db: {  	[tilespmem:s13+$0x20] =	vst v2;
	v2 =	vadd.f32 v6, v5;
	v5 =	vld [tilespmem:s6+$0x30]  }
0x1dc: {  	v6 =	vld [tilespmem:s11+$0x30]  }
0x1dd: {  	v1 =	vadd.f32 v2, v1;
	v2 =	vadd.f32 v3, v8;
	v3 =	vld [tilespmem:s8+$0x30]  }
0x1de: {  	v8 =	vld [tilespmem:s2+$0x30]  }
0x1df: {  	[tilespmem:s13+$0xB0] =	vst v1;
	v1 =	vadd.f32 v7, v4;
	v4 =	vld [tilespmem:s3+$0x30]  }
0x1e0: {  	v7 =	vld [tilespmem:s9+$0x30]  }
0x1e1: {  	v1 =	vadd.f32 v1, v2;
	v2 =	vld [tilespmem:s4+$0x30]  }
0x1e2: {  	v5 =	vadd.f32 v5, v9;
	v3 =	vadd.f32 v3, v6;
	v6 =	vld [tilespmem:s1+$0x30]  }
0x1e3: {  	[tilespmem:s13+$0x140] =	vst v1;
	v1 =	vld [tilespmem:s7+$0x30]  }
0x1e4: {  	v3 =	vadd.f32 v3, v5;
	v5 =	vld [tilespmem:s19+$0x30]  }
0x1e5: {  	v4 =	vadd.f32 v4, v8;
	v8 =	vld [tilespmem:s12+$0x30]  }
0x1e6: {  	[tilespmem:s13+$0xFFFFFDF0] =	vst v3;
	v3 =	vld [tilespmem:s14+$0x30]  }
0x1e7: {  	v2 =	vadd.f32 v2, v7;
	v7 =	vld [tilespmem:s17+$0x30]  }
0x1e8: {  	s16 =	smov.u32 s18;
	v9 =	vld [tilespmem:s5+$0x40]  }
0x1e9: {  	v2 =	vadd.f32 v2, v4;
	v4 =	vld [tilespmem:s16+$0x30]  }
0x1ea: {  	v1 =	vadd.f32 v1, v6;
	v6 =	vld [tilespmem:s20+$0x30]  }
0x1eb: {  	[tilespmem:s13+$0xFFFFFE80] =	vst v2;
	v2 =	vadd.f32 v8, v5;
	v5 =	vld [tilespmem:s28+$0x30]  }
0x1ec: {  	v8 =	vld [tilespmem:s23+$0x30]  }
0x1ed: {  	v1 =	vadd.f32 v2, v1;
	v2 =	vadd.f32 v7, v3;
	v3 =	vld [tilespmem:s21+$0x30]  }
0x1ee: {  	v7 =	vld [tilespmem:s25+$0x30]  }
0x1ef: {  	[tilespmem:s13+$0xFFFFFF10] =	vst v1;
	v1 =	vadd.f32 v6, v4;
	v4 =	vld [tilespmem:s24+$0x30]  }
0x1f0: {  	v6 =	vld [tilespmem:s22+$0x30]  }
0x1f1: {  	v1 =	vadd.f32 v1, v2;
	v2 =	vadd.f32 v8, v5;
	v5 =	vld [tilespmem:s15+$0x30]  }
0x1f2: {  	v8 =	vld [tilespmem:s29+$0x30]  }
0x1f3: {  	[tilespmem:s13+$0xFFFFFFA0] =	vst v1;
	v1 =	vadd.f32 v7, v3;
	v3 =	vld [tilespmem:s26+$0x30]  }
0x1f4: {  	s18 =	smov.u32 s10;
	v7 =	vld [tilespmem:s30+$0x30]  }
0x1f5: {  	v1 =	vadd.f32 v1, v2;
	v2 =	vadd.f32 v6, v4;
	v4 =	vld [tilespmem:s18+$0x30]  }
0x1f6: {  	v6 =	vld [tilespmem:s0+$0x30]  }
0x1f7: {  	s10 =	smov.u32 s11;
	[tilespmem:s13+$0x30] =	vst v1;
	v1 =	vadd.f32 v8, v5;
	v5 =	vld [tilespmem:s6+$0x40]  }
0x1f8: {  	v8 =	vld [tilespmem:s10+$0x40]  }
0x1f9: {  	v1 =	vadd.f32 v1, v2;
	v2 =	vadd.f32 v7, v3;
	v3 =	vld [tilespmem:s8+$0x40]  }
0x1fa: {  	v7 =	vld [tilespmem:s2+$0x40]  }
0x1fb: {  	s31 =	smov.u32 s9;
	[tilespmem:s13+$0xC0] =	vst v1;
	v1 =	vadd.f32 v6, v4;
	v4 =	vld [tilespmem:s3+$0x40]  }
0x1fc: {  	v6 =	vld [tilespmem:s31+$0x40]  }
0x1fd: {  	v1 =	vadd.f32 v1, v2;
	v2 =	vld [tilespmem:s4+$0x40]  }
0x1fe: {  	v5 =	vadd.f32 v5, v9;
	v3 =	vadd.f32 v3, v8;
	v8 =	vld [tilespmem:s1+$0x40]  }
0x1ff: {  	[tilespmem:s13+$0x150] =	vst v1;
	v1 =	vld [tilespmem:s7+$0x40]  }
0x200: {  	v3 =	vadd.f32 v3, v5;
	v5 =	vld [tilespmem:s19+$0x40]  }
0x201: {  	v4 =	vadd.f32 v4, v7;
	v7 =	vld [tilespmem:s12+$0x40]  }
0x202: {  	[tilespmem:s13+$0xFFFFFE00] =	vst v3;
	v3 =	vld [tilespmem:s14+$0x40]  }
0x203: {  	v2 =	vadd.f32 v2, v6;
	v6 =	vld [tilespmem:s17+$0x40]  }
0x204: {  	v9 =	vld [tilespmem:s5+$0x50]  }
0x205: {  	v2 =	vadd.f32 v2, v4;
	v4 =	vld [tilespmem:s16+$0x40]  }
0x206: {  	v1 =	vadd.f32 v1, v8;
	v8 =	vld [tilespmem:s20+$0x40]  }
0x207: {  	[tilespmem:s13+$0xFFFFFE90] =	vst v2;
	v2 =	vadd.f32 v7, v5;
	v5 =	vld [tilespmem:s28+$0x40]  }
0x208: {  	v7 =	vld [tilespmem:s23+$0x40]  }
0x209: {  	v1 =	vadd.f32 v2, v1;
	v2 =	vadd.f32 v6, v3;
	v3 =	vld [tilespmem:s21+$0x40]  }
0x20a: {  	v6 =	vld [tilespmem:s25+$0x40]  }
0x20b: {  	[tilespmem:s13+$0xFFFFFF20] =	vst v1;
	v1 =	vadd.f32 v8, v4;
	v4 =	vld [tilespmem:s24+$0x40]  }
0x20c: {  	v8 =	vld [tilespmem:s22+$0x40]  }
0x20d: {  	v1 =	vadd.f32 v1, v2;
	v2 =	vadd.f32 v7, v5;
	v5 =	vld [tilespmem:s15+$0x40]  }
0x20e: {  	v7 =	vld [tilespmem:s29+$0x40]  }
0x20f: {  	[tilespmem:s13+$0xFFFFFFB0] =	vst v1;
	v1 =	vadd.f32 v6, v3;
	v3 =	vld [tilespmem:s26+$0x40]  }
0x210: {  	v6 =	vld [tilespmem:s30+$0x40]  }
0x211: {  	v1 =	vadd.f32 v1, v2;
	v2 =	vadd.f32 v8, v4;
	v4 =	vld [tilespmem:s18+$0x40]  }
0x212: {  	v8 =	vld [tilespmem:s0+$0x40]  }
0x213: {  	[tilespmem:s13+$0x40] =	vst v1;
	v1 =	vadd.f32 v7, v5;
	v5 =	vld [tilespmem:s6+$0x50]  }
0x214: {  	v7 =	vld [tilespmem:s10+$0x50]  }
0x215: {  	v1 =	vadd.f32 v1, v2;
	v2 =	vadd.f32 v6, v3;
	v3 =	vld [tilespmem:s8+$0x50]  }
0x216: {  	v6 =	vld [tilespmem:s2+$0x50]  }
0x217: {  	[tilespmem:s13+$0xD0] =	vst v1;
	v1 =	vadd.f32 v8, v4;
	v4 =	vld [tilespmem:s3+$0x50]  }
0x218: {  	v8 =	vld [tilespmem:s31+$0x50]  }
0x219: {  	v1 =	vadd.f32 v1, v2;
	v2 =	vld [tilespmem:s4+$0x50]  }
0x21a: {  	s9 =	smov.u32 s7;
	v5 =	vadd.f32 v5, v9;
	v3 =	vadd.f32 v3, v7;
	v7 =	vld [tilespmem:s1+$0x50]  }
0x21b: {  	[tilespmem:s13+$0x160] =	vst v1;
	v1 =	vld [tilespmem:s9+$0x50]  }
0x21c: {  	v3 =	vadd.f32 v3, v5;
	v5 =	vld [tilespmem:s19+$0x50]  }
0x21d: {  	v4 =	vadd.f32 v4, v6;
	v6 =	vld [tilespmem:s12+$0x50]  }
0x21e: {  	[tilespmem:s13+$0xFFFFFE10] =	vst v3;
	v3 =	vld [tilespmem:s14+$0x50]  }
0x21f: {  	v2 =	vadd.f32 v2, v8;
	v8 =	vld [tilespmem:s17+$0x50]  }
0x220: {  	v9 =	vld [tilespmem:s5+$0x60]  }
0x221: {  	v2 =	vadd.f32 v2, v4;
	v4 =	vld [tilespmem:s16+$0x50]  }
0x222: {  	v1 =	vadd.f32 v1, v7;
	v7 =	vld [tilespmem:s20+$0x50]  }
0x223: {  	[tilespmem:s13+$0xFFFFFEA0] =	vst v2;
	v2 =	vadd.f32 v6, v5;
	v5 =	vld [tilespmem:s28+$0x50]  }
0x224: {  	v6 =	vld [tilespmem:s23+$0x50]  }
0x225: {  	v1 =	vadd.f32 v2, v1;
	v2 =	vadd.f32 v8, v3;
	v3 =	vld [tilespmem:s21+$0x50]  }
0x226: {  	v8 =	vld [tilespmem:s25+$0x50]  }
0x227: {  	[tilespmem:s13+$0xFFFFFF30] =	vst v1;
	v1 =	vadd.f32 v7, v4;
	v4 =	vld [tilespmem:s24+$0x50]  }
0x228: {  	v7 =	vld [tilespmem:s22+$0x50]  }
0x229: {  	v1 =	vadd.f32 v1, v2;
	v2 =	vadd.f32 v6, v5;
	v5 =	vld [tilespmem:s15+$0x50]  }
0x22a: {  	v6 =	vld [tilespmem:s29+$0x50]  }
0x22b: {  	[tilespmem:s13+$0xFFFFFFC0] =	vst v1;
	v1 =	vadd.f32 v8, v3;
	v3 =	vld [tilespmem:s26+$0x50]  }
0x22c: {  	v8 =	vld [tilespmem:s30+$0x50]  }
0x22d: {  	v1 =	vadd.f32 v1, v2;
	v2 =	vadd.f32 v7, v4;
	v4 =	vld [tilespmem:s18+$0x50]  }
0x22e: {  	v7 =	vld [tilespmem:s0+$0x50]  }
0x22f: {  	[tilespmem:s13+$0x50] =	vst v1;
	v1 =	vadd.f32 v6, v5;
	v5 =	vld [tilespmem:s6+$0x60]  }
0x230: {  	v6 =	vld [tilespmem:s10+$0x60]  }
0x231: {  	v1 =	vadd.f32 v1, v2;
	v2 =	vadd.f32 v8, v3;
	v3 =	vld [tilespmem:s8+$0x60]  }
0x232: {  	v8 =	vld [tilespmem:s2+$0x60]  }
0x233: {  	[tilespmem:s13+$0xE0] =	vst v1;
	v1 =	vadd.f32 v7, v4;
	v4 =	vld [tilespmem:s3+$0x60]  }
0x234: {  	v7 =	vld [tilespmem:s31+$0x60]  }
0x235: {  	v1 =	vadd.f32 v1, v2;
	v2 =	vld [tilespmem:s4+$0x60]  }
0x236: {  	v5 =	vadd.f32 v5, v9;
	v3 =	vadd.f32 v3, v6;
	v6 =	vld [tilespmem:s1+$0x60]  }
0x237: {  	s7 =	smov.u32 s19;
	[tilespmem:s13+$0x170] =	vst v1;
	v1 =	vld [tilespmem:s9+$0x60]  }
0x238: {  	v3 =	vadd.f32 v3, v5;
	v5 =	vld [tilespmem:s7+$0x60]  }
0x239: {  	v4 =	vadd.f32 v4, v8;
	v8 =	vld [tilespmem:s12+$0x60]  }
0x23a: {  	[tilespmem:s13+$0xFFFFFE20] =	vst v3;
	v3 =	vld [tilespmem:s14+$0x60]  }
0x23b: {  	v2 =	vadd.f32 v2, v7;
	v7 =	vld [tilespmem:s17+$0x60]  }
0x23c: {  	v9 =	vld [tilespmem:s5+$0x70]  }
0x23d: {  	v2 =	vadd.f32 v2, v4;
	v4 =	vld [tilespmem:s16+$0x60]  }
0x23e: {  	v1 =	vadd.f32 v1, v6;
	v6 =	vld [tilespmem:s20+$0x60]  }
0x23f: {  	[tilespmem:s13+$0xFFFFFEB0] =	vst v2;
	v2 =	vadd.f32 v8, v5;
	v5 =	vld [tilespmem:s28+$0x60]  }
0x240: {  	v8 =	vld [tilespmem:s23+$0x60]  }
0x241: {  	v1 =	vadd.f32 v2, v1;
	v2 =	vadd.f32 v7, v3;
	v3 =	vld [tilespmem:s21+$0x60]  }
0x242: {  	v7 =	vld [tilespmem:s25+$0x60]  }
0x243: {  	[tilespmem:s13+$0xFFFFFF40] =	vst v1;
	v1 =	vadd.f32 v6, v4;
	v4 =	vld [tilespmem:s24+$0x60]  }
0x244: {  	v6 =	vld [tilespmem:s22+$0x60]  }
0x245: {  	v1 =	vadd.f32 v1, v2;
	v2 =	vadd.f32 v8, v5;
	v5 =	vld [tilespmem:s15+$0x60]  }
0x246: {  	v8 =	vld [tilespmem:s29+$0x60]  }
0x247: {  	[tilespmem:s13+$0xFFFFFFD0] =	vst v1;
	v1 =	vadd.f32 v7, v3;
	v3 =	vld [tilespmem:s26+$0x60]  }
0x248: {  	s11 =	smov.u32 s18;
	v7 =	vld [tilespmem:s30+$0x60]  }
0x249: {  	v1 =	vadd.f32 v1, v2;
	v2 =	vadd.f32 v6, v4;
	v4 =	vld [tilespmem:s11+$0x60]  }
0x24a: {  	v6 =	vld [tilespmem:s0+$0x60]  }
0x24b: {  	[tilespmem:s13+$0x60] =	vst v1;
	v1 =	vadd.f32 v8, v5;
	v5 =	vld [tilespmem:s6+$0x70]  }
0x24c: {  	v8 =	vld [tilespmem:s10+$0x70]  }
0x24d: {  	s19 =	smov.u32 s2;
	v1 =	vadd.f32 v1, v2;
	v2 =	vadd.f32 v7, v3;
	v3 =	vld [tilespmem:s8+$0x70]  }
0x24e: {  	v7 =	vld [tilespmem:s19+$0x70]  }
0x24f: {  	[tilespmem:s13+$0xF0] =	vst v1;
	v1 =	vadd.f32 v6, v4;
	v4 =	vld [tilespmem:s3+$0x70]  }
0x250: {  	v6 =	vld [tilespmem:s31+$0x70]  }
0x251: {  	s18 =	smov.u32 s1;
	v1 =	vadd.f32 v1, v2;
	v2 =	vld [tilespmem:s4+$0x70]  }
0x252: {  	v5 =	vadd.f32 v5, v9;
	v3 =	vadd.f32 v3, v8;
	v8 =	vld [tilespmem:s18+$0x70]  }
0x253: {  	[tilespmem:s13+$0x180] =	vst v1;
	v1 =	vld [tilespmem:s9+$0x70]  }
0x254: {  	v3 =	vadd.f32 v3, v5;
	v5 =	vld [tilespmem:s7+$0x70]  }
0x255: {  	s2 =	smov.u32 s14;
	v4 =	vadd.f32 v4, v7;
	v7 =	vld [tilespmem:s12+$0x70]  }
0x256: {  	[tilespmem:s13+$0xFFFFFE30] =	vst v3;
	v3 =	vld [tilespmem:s2+$0x70]  }
0x257: {  	v2 =	vadd.f32 v2, v6;
	v6 =	vld [tilespmem:s17+$0x70]  }
0x258: {  	v9 =	vld [tilespmem:s5+$0x80]  }
0x259: {  	s14 =	smov.u32 s20;
	v2 =	vadd.f32 v2, v4;
	v4 =	vld [tilespmem:s16+$0x70]  }
0x25a: {  	v1 =	vadd.f32 v1, v8;
	v8 =	vld [tilespmem:s14+$0x70]  }
0x25b: {  	[tilespmem:s13+$0xFFFFFEC0] =	vst v2;
	v2 =	vadd.f32 v7, v5;
	v5 =	vld [tilespmem:s28+$0x70]  }
0x25c: {  	v7 =	vld [tilespmem:s23+$0x70]  }
0x25d: {  	v1 =	vadd.f32 v2, v1;
	v2 =	vadd.f32 v6, v3;
	v3 =	vld [tilespmem:s21+$0x70]  }
0x25e: {  	v6 =	vld [tilespmem:s25+$0x70]  }
0x25f: {  	[tilespmem:s13+$0xFFFFFF50] =	vst v1;
	v1 =	vadd.f32 v8, v4;
	v4 =	vld [tilespmem:s24+$0x70]  }
0x260: {  	s20 =	smov.u32 s15;
	v8 =	vld [tilespmem:s22+$0x70]  }
0x261: {  	s15 =	smov.u32 s29;
	v1 =	vadd.f32 v1, v2;
	v2 =	vadd.f32 v7, v5;
	v5 =	vld [tilespmem:s20+$0x70]  }
0x262: {  	s1 =	smov.u32 s26;
	v7 =	vld [tilespmem:s15+$0x70]  }
0x263: {  	[dreg:$0x7] =	wrdreg s21;
	s21 =	smov.u32 s20;
	[tilespmem:s13+$0xFFFFFFE0] =	vst v1;
	v1 =	vadd.f32 v6, v3;
	v3 =	vld [tilespmem:s1+$0x70]  }
0x264: {  	s20 =	smov.u32 s15;
	s15 =	smov.u32 s30;
	v6 =	vld [tilespmem:s30+$0x70];
	s30 =	rddreg [dreg:$0x4]  }
0x265: {  	s26 =	smov.u32 s11;
	v10 =	vld [tilespmem:s30+$0x80]  }
0x266: {  	s29 =	smov.u32 s0;
	v1 =	vadd.f32 v1, v2;
	v2 =	vadd.f32 v8, v4;
	v4 =	vld [tilespmem:s26+$0x70]  }
0x267: {  	v8 =	vld [tilespmem:s29+$0x70]  }
0x268: {  	[tilespmem:s13+$0x70] =	vst v1;
	v1 =	vadd.f32 v7, v5;
	v5 =	vld [tilespmem:s6+$0x80]  }
0x269: {  	v7 =	vld [tilespmem:s10+$0x80]  }
0x26a: {  	v1 =	vadd.f32 v1, v2;
	v2 =	vadd.f32 v6, v3;
	v6 =	vld [tilespmem:s8+$0x80]  }
0x26b: {  	v3 =	vld [tilespmem:s31+$0x80]  }
0x26c: {  	s11 =	smov.u32 s18;
	[tilespmem:s13+$0x100] =	vst v1;
	v1 =	vadd.f32 v8, v4;
	v8 =	vld [tilespmem:s3+$0x80]  }
.Ltmp0:
0x26d: {  	v4 =	vld [tilespmem:s11+$0x80];
	(pc) =	sbr.rel @p0 .LBB2_3-.Ltmp0, $4  }
0x26e: {  	s0 =	smov.u32 s2;
	s19 =	smov.u32 s16;
	s18 =	smov.u32 s17;
	v9 =	vadd.f32 v5, v9;
	v5 =	vld [tilespmem:s4+$0x80];
	v1 =	vadd.f32 v1, v2  }
0x26f: {  	s17 =	smov.u32 s14;
	s2 =	smov.u32 s24;
	s14 =	smov.u32 s28;
	v2 =	vld [tilespmem:s9+$0x80];
	v6 =	vadd.f32 v6, v7  }
0x270: {  	s16 =	smov.u32 s25;
	s23 =	smov.u32 s1;
	s31 =	rddreg [dreg:$0x3];
	[tilespmem:s13+$0x190] =	vst v1;
	v1 =	vld [tilespmem:s7+$0x80]  }
0x271: {  	s28 =	smov.u32 s26;
	s26 =	smov.u32 s29;
	s1 =	sadd.s32 $0x20, s31;
	v6 =	vadd.f32 v6, v9;
	v7 =	vadd.f32 v8, v10;
	v8 =	vld [tilespmem:s12+$0x80]  }
0x272: {  	v9 =	vld [tilespmem:s0+$0x80]  }
0x273: {  	v10 =	vld [tilespmem:s18+$0x80]  }
0x274: {  	v11 =	vld [tilespmem:s19+$0x80]  }
0x275: {  	v12 =	vld [tilespmem:s17+$0x80]  }
0x276: {  	v13 =	vld [tilespmem:s14+$0x80]  }
0x277: {  	v16 =	vld [tilespmem:s16+$0x80]  }
0x278: {  	v17 =	vld [tilespmem:s2+$0x80]  }
0x279: {  	v18 =	vld [tilespmem:s22+$0x80]  }
0x27a: {  	v19 =	vld [tilespmem:s21+$0x80]  }
0x27b: {  	s30 =	rddreg [dreg:$0x8];
	v20 =	vld [tilespmem:s20+$0x80]  }
0x27c: {  	s31 =	rddreg [dreg:$0x7];
	v14 =	vld [tilespmem:s30+$0x80]  }
0x27d: {  	v15 =	vld [tilespmem:s31+$0x80]  }
0x27e: {  	v3 =	vadd.f32 v5, v3;
	v5 =	vld [tilespmem:s23+$0x80]  }
0x27f: {  	v2 =	vadd.f32 v2, v4;
	v4 =	vld [tilespmem:s15+$0x80];
	v1 =	vadd.f32 v8, v1  }
0x280: {  	v8 =	vld [tilespmem:s28+$0x80]  }
0x281: {  	v3 =	vadd.f32 v3, v7;
	v1 =	vadd.f32 v1, v2;
	v2 =	vld [tilespmem:s26+$0x80]  }
0x282: {  	v7 =	vadd.f32 v10, v9;
	v9 =	vadd.f32 v12, v11  }
0x283: {  	v10 =	vadd.f32 v14, v13;
	v11 =	vadd.f32 v16, v15  }
0x284: {  	[tilespmem:s13+$0xFFFFFE40] =	vst v6;
	v6 =	vadd.f32 v9, v7;
	v7 =	vadd.f32 v18, v17  }
0x285: {  	[tilespmem:s13+$0xFFFFFED0] =	vst v3;
	v9 =	vadd.f32 v20, v19;
	v3 =	vadd.f32 v11, v10  }
0x286: {  	[tilespmem:s13+$0xFFFFFF60] =	vst v1;
	v1 =	vadd.f32 v4, v5;
	v2 =	vadd.f32 v2, v8  }
0x287: {  	[tilespmem:s13+$0xFFFFFFF0] =	vst v6;
	v4 =	vadd.f32 v9, v7  }
0x288: {  	[tilespmem:s13+$0x80] =	vst v3;
	v1 =	vadd.f32 v2, v1  }
0x289: {  	[tilespmem:s13+$0x110] =	vst v4  }
0x28a: {  	s1 =	simm.s32 $0x0;
	[tilespmem:s13+$0x1A0] =	vst v1  }
0x28b: {  	v1 =	vld [tilespmem:s1+$0xD07D]  }
0x28c: {  	v2 =	vld [tilespmem:s1+$0xD10E]  }
0x28d: {  	v3 =	vld [tilespmem:s1+$0xD19F]  }
0x28e: {  	v4 =	vld [tilespmem:s1+$0xD230]  }
0x28f: {  	v5 =	vld [tilespmem:s1+$0xD00D]  }
0x290: {  	v6 =	vld [tilespmem:s1+$0xD09E]  }
0x291: {  	v7 =	vld [tilespmem:s1+$0xD12F]  }
0x292: {  	v8 =	vld [tilespmem:s1+$0xD1C0]  }
0x293: {  	v9 =	vld [tilespmem:s1+$0xD01D]  }
0x294: {  	v10 =	vld [tilespmem:s1+$0xD0AE]  }
0x295: {  	v11 =	vld [tilespmem:s1+$0xD13F]  }
0x296: {  	v12 =	vld [tilespmem:s1+$0xD1D0]  }
0x297: {  	v13 =	vld [tilespmem:s1+$0xD02D]  }
0x298: {  	v14 =	vld [tilespmem:s1+$0xD0BE]  }
0x299: {  	v15 =	vld [tilespmem:s1+$0xD14F]  }
0x29a: {  	v57 =	vld [tilespmem:s1+$0xD1E0]  }
0x29b: {  	v58 =	vld [tilespmem:s1+$0xD03D]  }
0x29c: {  	v59 =	vld [tilespmem:s1+$0xD0CE]  }
0x29d: {  	v60 =	vld [tilespmem:s1+$0xD15F]  }
0x29e: {  	v61 =	vld [tilespmem:s1+$0xD1F0]  }
0x29f: {  	v21 =	vld [tilespmem:s1+$0xD04D]  }
0x2a0: {  	v22 =	vld [tilespmem:s1+$0xD0DE]  }
0x2a1: {  	v1 =	vmul.f32 v2, v1;
	v2 =	vmul.f32 v4, v3;
	v3 =	vld [tilespmem:s1+$0xD16F]  }
0x2a2: {  	v4 =	vmul.f32 v6, v5;
	v6 =	vld [tilespmem:s1+$0xD200]  }
0x2a3: {  	v5 =	vmul.f32 v8, v7;
	v7 =	vmul.f32 v10, v9;
	v9 =	vld [tilespmem:s1+$0xD05D]  }
0x2a4: {  	v8 =	vmul.f32 v12, v11;
	v10 =	vmul.f32 v14, v13;
	v12 =	vld [tilespmem:s1+$0xD210]  }
0x2a5: {  	v11 =	vmul.f32 v57, v15;
	v1 =	vmul.f32 v2, v1;
	v2 =	vld [tilespmem:s1+$0xD0EE]  }
0x2a6: {  	v13 =	vmul.f32 v59, v58;
	v7 =	vmul.f32 v8, v7;
	v8 =	vld [tilespmem:s1+$0xD17F]  }
0x2a7: {  	v63 =	vld [tilespmem:s1+$0xD0FE];
	v14 =	vmul.f32 v61, v60;
	v4 =	vmul.f32 v5, v4  }
0x2a8: {  	v15 =	vld [tilespmem:s1+$0xD06D];
	v62 =	vmul.f32 v22, v21;
	v6 =	vmul.f32 v6, v3  }
0x2a9: {  	v5 =	vadd.f32 v4, v0;
	v4 =	vmul.f32 v11, v10;
	v10 =	vld [tilespmem:s1+$0xD18F]  }
0x2aa: {  	s0 =	simm.s32 $0x90;
	v3 =	vadd.f32 v7, v0;
	v7 =	vmul.f32 v14, v13;
	v13 =	vld [tilespmem:s1+$0xD220];
	v11 =	vmul.f32 v6, v62  }
0x2ab: {  	v1 =	vadd.f32 v1, v0;
	v14 =	vmul.f32 v2, v9;
	v9 =	vld [tilespmem:s0+$0xD07D];
	v12 =	vmul.f32 v12, v8  }
0x2ac: {  	v6 =	vadd.f32 v4, v0;
	v4 =	vadd.f32 v7, v0;
	v8 =	vld [tilespmem:s0+$0xD19F];
	v7 =	vimm.f32 $0.0e+00  }
0x2ad: {  	s1 =	simm.s32 $0x480;
	v2 =	vadd.f32 v11, v0;
	v11 =	vld [tilespmem:s0+$0xD10E];
	v12 =	vmul.f32 v12, v14;
	v14 =	vmul.f32 v63, v15  }
.LBB2_5:
0x2ae: {  	p0 =	sne.s32 s1, $0x11700;
	v15 =	vld [tilespmem:s0+$0xD230]  }
0x2af: {  	v16 =	vld [tilespmem:s0+$0xD00D];
	v0 =	vadd.f32 v12, v0;
	v10 =	vmul.f32 v13, v10  }
0x2b0: {  	v12 =	vld [tilespmem:s0+$0xD09E]  }
0x2b1: {  	v13 =	vld [tilespmem:s0+$0xD12F];
	v10 =	vmul.f32 v10, v14  }
0x2b2: {  	v14 =	vld [tilespmem:s0+$0xD1C0]  }
0x2b3: {  	v9 =	vmul.f32 v11, v9;
	v17 =	vld [tilespmem:s0+$0xD01D];
	v8 =	vmul.f32 v15, v8;
	v7 =	vadd.f32 v10, v7  }
0x2b4: {  	v10 =	vld [tilespmem:s0+$0xD0AE]  }
0x2b5: {  	v11 =	vmul.f32 v12, v16;
	v12 =	vld [tilespmem:s0+$0xD13F];
	v8 =	vmul.f32 v8, v9  }
0x2b6: {  	v9 =	vld [tilespmem:s0+$0xD1D0]  }
0x2b7: {  	v13 =	vmul.f32 v14, v13;
	v14 =	vld [tilespmem:s0+$0xD02D];
	v1 =	vadd.f32 v8, v1  }
0x2b8: {  	v8 =	vld [tilespmem:s0+$0xD0BE]  }
0x2b9: {  	v11 =	vmul.f32 v13, v11;
	v10 =	vmul.f32 v10, v17;
	v13 =	vld [tilespmem:s0+$0xD14F]  }
0x2ba: {  	v15 =	vld [tilespmem:s0+$0xD1E0]  }
0x2bb: {  	v5 =	vadd.f32 v11, v5;
	v9 =	vmul.f32 v9, v12;
	v11 =	vld [tilespmem:s0+$0xD03D]  }
0x2bc: {  	v12 =	vld [tilespmem:s0+$0xD0CE]  }
0x2bd: {  	v9 =	vmul.f32 v9, v10;
	v8 =	vmul.f32 v8, v14;
	v10 =	vld [tilespmem:s0+$0xD15F]  }
0x2be: {  	v14 =	vld [tilespmem:s0+$0xD1F0]  }
0x2bf: {  	v3 =	vadd.f32 v9, v3;
	v9 =	vmul.f32 v15, v13;
	v13 =	vld [tilespmem:s0+$0xD04D]  }
0x2c0: {  	v15 =	vld [tilespmem:s0+$0xD0DE]  }
0x2c1: {  	v8 =	vmul.f32 v9, v8;
	v9 =	vmul.f32 v12, v11;
	v11 =	vld [tilespmem:s0+$0xD16F]  }
0x2c2: {  	v12 =	vld [tilespmem:s0+$0xD200]  }
0x2c3: {  	v6 =	vadd.f32 v8, v6;
	v8 =	vmul.f32 v14, v10;
	v10 =	vld [tilespmem:s0+$0xD05D]  }
0x2c4: {  	v14 =	vld [tilespmem:s0+$0xD0EE]  }
0x2c5: {  	v8 =	vmul.f32 v8, v9;
	v9 =	vmul.f32 v15, v13;
	v15 =	vld [tilespmem:s0+$0xD17F]  }
0x2c6: {  	v16 =	vld [tilespmem:s0+$0xD210]  }
0x2c7: {  	v4 =	vadd.f32 v8, v4;
	v8 =	vmul.f32 v12, v11;
	v17 =	vld [tilespmem:s0+$0xD06D]  }
0x2c8: {  	v18 =	vld [tilespmem:s0+$0xD0FE]  }
.Ltmp1:
0x2c9: {  	v8 =	vmul.f32 v8, v9;
	v12 =	vmul.f32 v14, v10;
	v10 =	vld [tilespmem:s0+$0xD18F];
	(pc) =	sbr.rel @p0 .LBB2_5-.Ltmp1, $4  }
0x2ca: {  	v13 =	vld [tilespmem:s0+$0xD220];
	s0 =	sshra.s32 s1, $0x2  }
0x2cb: {  	v9 =	vld [tilespmem:s0+$0xD07D];
	v2 =	vadd.f32 v8, v2;
	v14 =	vmul.f32 v16, v15  }
0x2cc: {  	v11 =	vld [tilespmem:s0+$0xD10E]  }
0x2cd: {  	s1 =	sadd.s32 $0x240, s1;
	v8 =	vld [tilespmem:s0+$0xD19F];
	v12 =	vmul.f32 v14, v12;
	v14 =	vmul.f32 v18, v17  }
0x2ce: {  	v15 =	vld [tilespmem:s0+$0xD00D]  }
0x2cf: {  	v16 =	vld [tilespmem:s0+$0xD09E]  }
0x2d0: {  	v17 =	vld [tilespmem:s0+$0xD12F]  }
0x2d1: {  	v18 =	vld [tilespmem:s0+$0xD1C0]  }
0x2d2: {  	v19 =	vld [tilespmem:s0+$0xD01D]  }
0x2d3: {  	v20 =	vld [tilespmem:s0+$0xD0AE]  }
0x2d4: {  	v21 =	vld [tilespmem:s0+$0xD13F]  }
0x2d5: {  	v22 =	vld [tilespmem:s0+$0xD1D0]  }
0x2d6: {  	v23 =	vld [tilespmem:s0+$0xD02D]  }
0x2d7: {  	v24 =	vld [tilespmem:s0+$0xD0BE]  }
0x2d8: {  	v25 =	vld [tilespmem:s0+$0xD14F]  }
0x2d9: {  	v26 =	vld [tilespmem:s0+$0xD1E0]  }
0x2da: {  	v27 =	vld [tilespmem:s0+$0xD03D]  }
0x2db: {  	v28 =	vld [tilespmem:s0+$0xD0CE]  }
0x2dc: {  	v29 =	vld [tilespmem:s0+$0xD15F]  }
0x2dd: {  	v30 =	vld [tilespmem:s0+$0xD1F0]  }
0x2de: {  	v31 =	vld [tilespmem:s0+$0xD04D]  }
0x2df: {  	v32 =	vld [tilespmem:s0+$0xD0DE]  }
0x2e0: {  	v33 =	vld [tilespmem:s0+$0xD16F]  }
0x2e1: {  	v34 =	vld [tilespmem:s0+$0xD200]  }
0x2e2: {  	v35 =	vld [tilespmem:s0+$0xD05D];
	v10 =	vmul.f32 v13, v10  }
0x2e3: {  	v62 =	vld [tilespmem:s0+$0xD0EE]  }
0x2e4: {  	v36 =	vld [tilespmem:s0+$0xD17F];
	v10 =	vmul.f32 v10, v14  }
0x2e5: {  	v37 =	vld [tilespmem:s0+$0xD210];
	v9 =	vmul.f32 v11, v9;
	v15 =	vmul.f32 v16, v15  }
0x2e6: {  	v39 =	vld [tilespmem:s0+$0xD06D];
	v63 =	vmul.f32 v18, v17;
	v40 =	vmul.f32 v20, v19  }
0x2e7: {  	v42 =	vld [tilespmem:s0+$0xD0FE];
	v41 =	vmul.f32 v22, v21;
	v43 =	vmul.f32 v24, v23  }
0x2e8: {  	v45 =	vld [tilespmem:s0+$0xD18F];
	v44 =	vmul.f32 v26, v25;
	v46 =	vmul.f32 v28, v27  }
0x2e9: {  	v48 =	vld [tilespmem:s0+$0xD220];
	v47 =	vmul.f32 v30, v29;
	v49 =	vmul.f32 v32, v31  }
0x2ea: {  	v51 =	vld [tilespmem:s0+$0xD230];
	v50 =	vmul.f32 v34, v33;
	v38 =	vmul.f32 v63, v15  }
0x2eb: {  	s1 =	rddreg [dreg:$0x1b];
	v0 =	vadd.f32 v12, v0;
	v56 =	vmul.f32 v62, v35;
	v52 =	vmul.f32 v41, v40  }
0x2ec: {  	s30 =	sshll.u32 s1, $0x7;
	v57 =	vmul.f32 v37, v36;
	v53 =	vmul.f32 v44, v43;
	v5 =	vadd.f32 v38, v5  }
0x2ed: {  	s0 =	sand.u32 $0x3FFFFF80, s30;
	v58 =	vmul.f32 v42, v39;
	v54 =	vmul.f32 v47, v46;
	v3 =	vadd.f32 v52, v3  }
0x2ee: {  	v59 =	vmul.f32 v48, v45;
	v55 =	vmul.f32 v50, v49;
	v6 =	vadd.f32 v53, v6;
	[tilespmem:s0+$0x11800] =	vst v5  }
0x2ef: {  	s1 =	sadd.s32 $0x1, s1;
	v60 =	vmul.f32 v51, v8;
	v61 =	vmul.f32 v57, v56;
	v4 =	vadd.f32 v54, v4;
	[tilespmem:s0+$0x11810] =	vst v3  }
0x2f0: {  	p0 =	sne.s32 s1, $0x20;
	v62 =	vadd.f32 v10, v7;
	v63 =	vmul.f32 v59, v58;
	v2 =	vadd.f32 v55, v2;
	[tilespmem:s0+$0x11820] =	vst v6  }
.Ltmp2:
0x2f1: {  	v0 =	vadd.f32 v61, v0;
	v5 =	vmul.f32 v60, v9;
	[tilespmem:s0+$0x11830] =	vst v4;
	(pc) =	sbr.rel @p0 .LBB2_2-.Ltmp2, $4  }
0x2f2: {  	v3 =	vadd.f32 v63, v62;
	[tilespmem:s0+$0x11840] =	vst v2  }
0x2f3: {  	[tilespmem:s0+$0x11850] =	vst v0;
	v1 =	vadd.f32 v5, v1  }
0x2f4: {  	s31 =	rddreg [dreg:$0x1a];
	[tilespmem:s0+$0x11860] =	vst v3  }
0x2f5: {  	s31 =	sadd.s32 $0x200, s31;
	[tilespmem:s0+$0x11870] =	vst v1  }
0x2f6: {  	s5 =	simm.s32 $0x0;
	s0 =	rddreg [dreg:$0x17];
	s1 =	simm.s32 $0x11800  }
0x2f7: {  	[hbm4b:s0+s5] =	stream.linear.scatter [tilespmem:s1], [sflag:$0x1], $0x1000, $0x38;
	[tilespmem:$0x12800] =	vst v63  }
0x2f8: {  	s1 =	simm.s32 $0x1  }
0x2f9: {  	_ =	swait.ge [sflag:s1], $0x1000  }
0x2fa: {  	s2 =	rddreg [dreg:$0x19]  }
0x2fb: {  	s31 =	rddreg [dreg:$0x18];
	s2 =	sadd.s32 $0x1, s2  }
0x2fc: {  	p0 =	sne.s32 s2, s31  }
.Ltmp3:
0x2fd: {  	_ = 	snop;
	(pc) =	sbr.rel @p0 .LBB2_1-.Ltmp3, $3  }
0x2fe: {  	_ =	sdelay $0x1  }
0x2ff: {  	[sflag:s1] =	ssyncset.done $0x0  }
0x300: {  	[sflag:s1] =	ssyncadd.s32 $0xFFFFF000  }
0x301: {  	_ =	sfence.sel $0x180000  }
0x302: {  	[bflag:$0x0] =	sbarrier.arrive $0xFFFF  }
0x303: {  	_ =	strace $0x90000047  }
0x304: {  	s0 =	stileid.u32;
	[bflag:$0x2] =	sbarrier.arrive $0xFFFF  }
0x305: {  	p0 =	sne.s32 s0, $0x0;
	s0 =	rddreg [dreg:$0x1]  }
0x306: {  	s0 =	sadd.s32 @!p0 $0x100000, s0  }
0x307: {  	[sflag:s0] =	ssyncadd.tile.s32 @!p0 $0x1;
	_ =	shalt  }
.Lfunc_end2:
_tile_overlayer_lowered:
.L_overlay_start_2:
0x308: {  	(tag) =	ssettag $0x2  }
0x309: {  	s0 =	rddreg [dreg:$0x0];
	s2 =	stileid.u32  }
0x30a: {  	s1 =	rddreg [dreg:$0x1];
	p0 =	sne.s32 s2, $0x0  }
0x30b: {  	s3 =	rddreg [dreg:$0x2];
	[bflag:$0x3] =	sbarrier.arrive $0xFFFF;
	s2 =	simm.s32 @!p0 $0x1C01  }
0x30c: {  	[timem:s3], [sflag:s2] =	dma.local @!p0 [hbm:s0], s1  }
0x30d: {  	s0 =	simm.s32 @!p0 $0x1  }
0x30e: {  	_ =	swait.ge @!p0 [sflag:s0], s1  }
0x30f: {  	s1 =	ssub.s32 @!p0 $0x0, s1;
	[sflag:s0] =	ssyncset.done @!p0 $0x0  }
0x310: {  	[sflag:s0] =	ssyncadd.s32 @!p0 s1  }
0x311: {  	[bflag:$0x3] =	sbarrier.arrive $0xFFFF  }
0x312: {  	_ =	shalt  }

</sc_bundles>
